<compile_context>
chip_gen: v7x
topology: tpu7x:2x2x1
jax: 0.10.2.dev20260603
libtpu: 0.0.44.dev20260713+nightly
codegen_flags: <defaults>
</compile_context>

<pallas_src>
import functools
import math

import jax
import jax.numpy as jnp
import numpy as np
from jax.experimental import pallas as pl
from jax.experimental.pallas import tpu as pltpu

N_HEADS = 16
HEAD_DIM = 8
NUM_GAUSSIANS = 20
DIM = 128
_GS_SPACING = 10.0 / (NUM_GAUSSIANS - 1)
_GS_COEFF = -0.5 / _GS_SPACING ** 2
_FREQS = np.array([[1.0, 2.0, 3.0, 1.0, 0.5, 1.0 / 3.0]], dtype=np.float32)
_NEG_INF = float("-inf")


def _ln_relu(x, g, beta):
    mu = jnp.mean(x, axis=-1, keepdims=True)
    var = jnp.mean((x - mu) ** 2, axis=-1, keepdims=True)
    y = (x - mu) * jax.lax.rsqrt(var + 1e-5) * g + beta
    return jnp.maximum(y, 0.0)


def _dot(a, b):
    return jnp.dot(a, b, preferred_element_type=jnp.float32)


def _precompute_kernel(hb_ref, posi_ref, posj_ref,
                       w1q_ref, b1q_ref, gq_ref, betaq_ref, w2q_ref, b2q_ref,
                       w1ka_ref, w1kb_ref, w1kc_ref, b1k_ref,
                       w1va_ref, w1vb_ref, w1vc_ref, b1v_ref,
                       q_ref, uk_ref, uv_ref, vk_ref, vv_ref):
    hb = hb_ref[...]
    posi = posi_ref[...]
    posj = posj_ref[...]
    d = posi - posj
    dist = jnp.sqrt(jnp.sum(d * d, axis=-1, keepdims=True))
    offs = jax.lax.broadcasted_iota(
        jnp.int32, (hb.shape[0], NUM_GAUSSIANS), 1).astype(jnp.float32)
    diff = dist - offs * _GS_SPACING
    r_feat = jnp.exp(_GS_COEFF * diff * diff)

    hmid_q = _dot(hb, w1q_ref[...]) + b1q_ref[...]
    rq = _ln_relu(hmid_q, gq_ref[...], betaq_ref[...])
    q_ref[...] = _dot(rq, w2q_ref[...]) + b2q_ref[...]

    uk_ref[...] = _dot(hb, w1ka_ref[...]) + _dot(r_feat, w1kb_ref[...])
    uv_ref[...] = _dot(hb, w1va_ref[...]) + _dot(r_feat, w1vb_ref[...])
    vk_ref[...] = _dot(r_feat, w1kc_ref[...]) + b1k_ref[...]
    vv_ref[...] = _dot(r_feat, w1vc_ref[...]) + b1v_ref[...]


def _slot_kernel(uk2_ref, uv2_ref, posj2_ref, valid_ref,
                 vk_ref, vv_ref, q_ref, posji_ref, posi_ref,
                 freqs_ref,
                 w1kd_ref, gk_ref, betak_ref, w2k_ref,
                 w1vd_ref, gv_ref, betav_ref, w2v_ref, b2v_ref,
                 pool_ref, poolt_ref,
                 m_ref, l_ref, acc_ref,
                 m_out, l_out, acc_out):
    posji = posji_ref[...]
    pos_ki = posj2_ref[...] - posi_ref[...]
    a = jnp.sum(posji * pos_ki, axis=-1, keepdims=True)
    x0, y0, z0 = posji[:, 0:1], posji[:, 1:2], posji[:, 2:3]
    x1, y1, z1 = pos_ki[:, 0:1], pos_ki[:, 1:2], pos_ki[:, 2:3]
    c0 = y0 * z1 - z0 * y1
    c1 = z0 * x1 - x0 * z1
    c2 = x0 * y1 - y0 * x1
    b = jnp.sqrt(c0 * c0 + c1 * c1 + c2 * c2 + 1e-12)
    angle = jnp.arctan2(b, a)
    z = angle * freqs_ref[...][:, 0:6]
    s6 = jnp.sin(z)
    c6 = jnp.cos(z)

    def ang_term(wd_ref):
        wd = wd_ref[...]
        return (angle * wd[0:1, :] + _dot(s6, wd[1:7, :]) + _dot(c6, wd[7:13, :]))

    valid = valid_ref[...] > 0

    hmid_k = uk2_ref[...] + vk_ref[...] + ang_term(w1kd_ref)
    rk = _ln_relu(hmid_k, gk_ref[...], betak_ref[...])
    k2 = _dot(rk, w2k_ref[...])
    logits = _dot(q_ref[...] * k2, pool_ref[...]) * (1.0 / math.sqrt(HEAD_DIM))
    logits_m = jnp.where(valid, logits, _NEG_INF)

    m_old = m_ref[...]
    m_new = jnp.maximum(m_old, logits_m)
    scale = jnp.where(m_new == _NEG_INF, 0.0, jnp.exp(m_old - m_new))
    p16 = jnp.where(valid, jnp.exp(logits - m_new), 0.0)
    m_out[...] = m_new
    l_out[...] = l_ref[...] * scale + p16

    hmid_v = uv2_ref[...] + vv_ref[...] + ang_term(w1vd_ref)
    rv = _ln_relu(hmid_v, gv_ref[...], betav_ref[...])
    v2 = _dot(rv, w2v_ref[...]) + b2v_ref[...]
    poolt = poolt_ref[...]
    scale128 = _dot(scale, poolt)
    p128 = _dot(p16, poolt)
    acc_out[...] = acc_ref[...] * scale128 + p128 * v2


def _finalize_kernel(acc_ref, l_ref, poolt_ref, out_ref):
    l128 = _dot(l_ref[...], poolt_ref[...])
    out_ref[...] = jnp.where(l128 > 0.0, acc_ref[...] / l128, 0.0)


def _edge_spec(be, lanes):
    return pl.BlockSpec((be, lanes), lambda i: (i, 0))


def _full_spec(shape):
    return pl.BlockSpec(shape, lambda i: tuple(0 for _ in shape))


def kernel(h, h_bond, pos, bond_index,
           hk_W1, hk_b1, hk_g, hk_beta, hk_W2, hk_b2,
           hv_W1, hv_b1, hv_g, hv_beta, hv_W2, hv_b2,
           hq_W1, hq_b1, hq_g, hq_beta, hq_W2, hq_b2):
    N = h.shape[0]
    E = h_bond.shape[0]
    BE = 1000 if E % 1000 == 0 else 8
    Ep = ((E + BE - 1) // BE) * BE
    nblk = Ep // BE

    row = bond_index[0].astype(jnp.int32)
    col = bond_index[1].astype(jnp.int32)
    order = jnp.argsort(col, stable=True).astype(jnp.int32)
    counts = jnp.zeros((N,), jnp.int32).at[col].add(1)
    starts = jnp.concatenate([jnp.zeros((1,), jnp.int32), jnp.cumsum(counts, dtype=jnp.int32)])
    j_start = starts[row]
    j_count = counts[row]
    max_cnt = jnp.max(counts)

    posi = pos[col]
    posj = pos[row]

    def padE(x, lanes=None):
        if x.ndim == 1:
            x = x[:, None]
        pad_lanes = 0 if lanes is None else lanes - x.shape[1]
        return jnp.pad(x, ((0, Ep - E), (0, pad_lanes)))

    hb_p = padE(h_bond)
    posi_p = padE(posi, 8)
    posj_p = padE(posj, 8)

    row1 = hq_b1[None, :]
    g1 = hq_g[None, :]
    beta1 = hq_beta[None, :]
    b2q = hq_b2[None, :]
    w1ka, w1kb, w1kc = hk_W1[0:128], hk_W1[128:148], hk_W1[148:168]
    w1va, w1vb, w1vc = hv_W1[0:128], hv_W1[128:148], hv_W1[148:168]
    w1kd = jnp.pad(hk_W1[168:181], ((0, 3), (0, 0)))
    w1vd = jnp.pad(hv_W1[168:181], ((0, 3), (0, 0)))
    b1k = hk_b1[None, :]
    b1v = hv_b1[None, :]

    q_p, uk_p, uv_p, vk_p, vv_p = pl.pallas_call(
        _precompute_kernel,
        grid=(nblk,),
        in_specs=[
            _edge_spec(BE, DIM), _edge_spec(BE, 8), _edge_spec(BE, 8),
            _full_spec((DIM, DIM)), _full_spec((1, DIM)), _full_spec((1, DIM)),
            _full_spec((1, DIM)), _full_spec((DIM, DIM)), _full_spec((1, DIM)),
            _full_spec((DIM, DIM)), _full_spec((NUM_GAUSSIANS, DIM)),
            _full_spec((NUM_GAUSSIANS, DIM)), _full_spec((1, DIM)),
            _full_spec((DIM, DIM)), _full_spec((NUM_GAUSSIANS, DIM)),
            _full_spec((NUM_GAUSSIANS, DIM)), _full_spec((1, DIM)),
        ],
        out_specs=[_edge_spec(BE, DIM)] * 5,
        out_shape=[jax.ShapeDtypeStruct((Ep, DIM), jnp.float32)] * 5,
    )(hb_p, posi_p, posj_p,
      hq_W1, row1, g1, beta1, hq_W2, b2q,
      w1ka, w1kb, w1kc, b1k,
      w1va, w1vb, w1vc, b1v)

    posji_p = posj_p - posi_p

    pool = jnp.asarray(np.kron(np.eye(N_HEADS), np.ones((HEAD_DIM, 1))), jnp.float32)
    poolt = pool.T
    freqs = jnp.asarray(np.pad(_FREQS, ((0, 0), (0, 2))), jnp.float32)

    m0 = jnp.full((Ep, N_HEADS), _NEG_INF, jnp.float32)
    l0 = jnp.zeros((Ep, N_HEADS), jnp.float32)
    acc0 = jnp.zeros((Ep, DIM), jnp.float32)

    gk = hk_g[None, :]
    betak = hk_beta[None, :]
    gv = hv_g[None, :]
    betav = hv_beta[None, :]
    b2v = hv_b2[None, :]

    slot_call = pl.pallas_call(
        _slot_kernel,
        grid=(nblk,),
        in_specs=[
            _edge_spec(BE, DIM), _edge_spec(BE, DIM), _edge_spec(BE, 8),
            _edge_spec(BE, 1),
            _edge_spec(BE, DIM), _edge_spec(BE, DIM), _edge_spec(BE, DIM),
            _edge_spec(BE, 8), _edge_spec(BE, 8),
            _full_spec((1, 8)),
            _full_spec((16, DIM)), _full_spec((1, DIM)), _full_spec((1, DIM)),
            _full_spec((DIM, DIM)),
            _full_spec((16, DIM)), _full_spec((1, DIM)), _full_spec((1, DIM)),
            _full_spec((DIM, DIM)), _full_spec((1, DIM)),
            _full_spec((DIM, N_HEADS)), _full_spec((N_HEADS, DIM)),
            _edge_spec(BE, N_HEADS), _edge_spec(BE, N_HEADS), _edge_spec(BE, DIM),
        ],
        out_specs=[_edge_spec(BE, N_HEADS), _edge_spec(BE, N_HEADS),
                   _edge_spec(BE, DIM)],
        out_shape=[jax.ShapeDtypeStruct((Ep, N_HEADS), jnp.float32),
                   jax.ShapeDtypeStruct((Ep, N_HEADS), jnp.float32),
                   jax.ShapeDtypeStruct((Ep, DIM), jnp.float32)],
        input_output_aliases={21: 0, 22: 1, 23: 2},
    )

    def body(s, state):
        m, l, acc = state
        pidx = jnp.minimum(j_start + s, E - 1)
        e2 = order[pidx]
        valid = ((s < j_count) & (col != row[e2])).astype(jnp.int32)
        uk2 = padE(uk_p[:E][e2])
        uv2 = padE(uv_p[:E][e2])
        posj2 = padE(posj[e2], 8)
        valid_p = padE(valid)
        return slot_call(uk2, uv2, posj2, valid_p,
                         vk_p, vv_p, q_p, posji_p, posi_p,
                         freqs,
                         w1kd, gk, betak, hk_W2,
                         w1vd, gv, betav, hv_W2, b2v,
                         pool, poolt,
                         m, l, acc)

    m, l, acc = jax.lax.fori_loop(0, max_cnt, body, (m0, l0, acc0))

    out = pl.pallas_call(
        _finalize_kernel,
        grid=(nblk,),
        in_specs=[_edge_spec(BE, DIM), _edge_spec(BE, N_HEADS),
                  _full_spec((N_HEADS, DIM))],
        out_specs=_edge_spec(BE, DIM),
        out_shape=jax.ShapeDtypeStruct((Ep, DIM), jnp.float32),
    )(acc, l, poolt)

    return out[:E]

# --- scband reference (transcript-rebuilt; emitter-appended) ---
"""Pipeline reference for scband-bond-update-layer-16020228014617 (READ-ONLY COPY).

The authoritative reference and input builder live on the scoring server;
editing this copy changes nothing except your own understanding.
"""

import jax, jax.numpy as jnp
import numpy as np

N_NODES = 20000
N_EDGES = 80000
INPUT_DIM = 128
HIDDEN_DIM = 128
OUTPUT_DIM = 128
N_HEADS = 16
NUM_GAUSSIANS = 20
ANG_NUM_FUNCS = 3
KV_IN = INPUT_DIM + 2 * NUM_GAUSSIANS + (1 + 4 * ANG_NUM_FUNCS)
Q_IN = INPUT_DIM


def _triplets(edge_index, num_nodes):
    row = np.asarray(edge_index[0]).astype(np.int64)
    col = np.asarray(edge_index[1]).astype(np.int64)
    E = row.shape[0]
    order = np.argsort(col, kind='stable')
    counts = np.bincount(col, minlength=num_nodes).astype(np.int64)
    starts = np.concatenate([np.zeros(1, dtype=np.int64), np.cumsum(counts)])
    num_triplets = counts[row]
    cum = np.cumsum(num_triplets)
    total = int(cum[-1]) if E > 0 else 0
    group = np.repeat(np.arange(E, dtype=np.int64), num_triplets)
    within = np.arange(total, dtype=np.int64) - np.repeat(cum - num_triplets, num_triplets)
    idx_kj = order[starts[row[group]] + within]
    idx_i = col[group]
    idx_j = row[group]
    idx_k = row[idx_kj]
    mask = idx_i != idx_k
    return row, col, idx_i[mask], idx_j[mask], idx_k[mask], idx_kj[mask], group[mask]


def _gaussian_smearing(dist):
    offset = jnp.linspace(0.0, 10.0, NUM_GAUSSIANS)
    coeff = -0.5 / (offset[1] - offset[0]) ** 2
    diff = dist[:, None] - offset[None, :]
    return jnp.exp(coeff * diff ** 2)


def _angular_encoding(angle):
    freq = jnp.asarray([float(i + 1) for i in range(ANG_NUM_FUNCS)] + [1.0 / (i + 1) for i in range(ANG_NUM_FUNCS)], dtype=jnp.float32)
    x = angle[:, None]
    return jnp.concatenate([x, jnp.sin(x * freq[None, :]), jnp.cos(x * freq[None, :])], axis=-1)


def _mlp(x, W1, b1, g, beta, W2, b2):
    hmid = x @ W1 + b1
    mu = jnp.mean(hmid, axis=-1, keepdims=True)
    var = jnp.var(hmid, axis=-1, keepdims=True)
    hmid = (hmid - mu) / jnp.sqrt(var + 1e-5) * g + beta
    hmid = jax.nn.relu(hmid)
    return hmid @ W2 + b2


def _init_mlp(key, in_dim, hidden, out_dim):
    k1, k2 = jax.random.split(key)
    W1 = jax.random.normal(k1, (in_dim, hidden), jnp.float32) / np.sqrt(in_dim)
    b1 = jnp.zeros((hidden,), jnp.float32)
    g = jnp.ones((hidden,), jnp.float32)
    beta = jnp.zeros((hidden,), jnp.float32)
    W2 = jax.random.normal(k2, (hidden, out_dim), jnp.float32) / np.sqrt(hidden)
    b2 = jnp.zeros((out_dim,), jnp.float32)
    return W1, b1, g, beta, W2, b2


def setup_inputs(seed: int = 0):
    key = jax.random.key(seed)
    ks = jax.random.split(key, 8)
    h = jax.random.normal(ks[0], (N_NODES, INPUT_DIM), jnp.float32)
    h_bond = jax.random.normal(ks[1], (N_EDGES, INPUT_DIM), jnp.float32)
    pos = jax.random.normal(ks[2], (N_NODES, 3), jnp.float32) * 3.0
    src = jax.random.randint(ks[3], (N_EDGES,), 0, N_NODES)
    dst = jax.random.randint(ks[4], (N_EDGES,), 0, N_NODES)
    dst = jnp.where(dst == src, (dst + 1) % N_NODES, dst)
    bond_index = jnp.stack([src, dst], axis=0)
    inp = {'h': h, 'h_bond': h_bond, 'pos': pos, 'bond_index': bond_index}
    names = ['W1', 'b1', 'g', 'beta', 'W2', 'b2']
    for pre, kk, in_dim in (('hk_', ks[5], KV_IN), ('hv_', ks[6], KV_IN), ('hq_', ks[7], Q_IN)):
        params = _init_mlp(kk, in_dim, HIDDEN_DIM, OUTPUT_DIM)
        for n, p in zip(names, params):
            inp[pre + n] = p
    return inp


def reference(h, h_bond, pos, bond_index,
              hk_W1, hk_b1, hk_g, hk_beta, hk_W2, hk_b2,
              hv_W1, hv_b1, hv_g, hv_beta, hv_W2, hv_b2,
              hq_W1, hq_b1, hq_g, hq_beta, hq_W2, hq_b2):
    N = h.shape[0]
    E = h_bond.shape[0]
    row = bond_index[0]
    col = bond_index[1]
    i = col
    j = row
    dist = jnp.sqrt(jnp.sum((pos[i] - pos[j]) ** 2, axis=-1))
    r_feat = _gaussian_smearing(dist)
    order = jnp.argsort(col, stable=True)
    counts = jnp.zeros((N,), dtype=col.dtype).at[col].add(1)
    starts = jnp.concatenate([jnp.zeros((1,), dtype=col.dtype), jnp.cumsum(counts)])
    head_dim = OUTPUT_DIM // N_HEADS
    q = _mlp(h_bond, hq_W1, hq_b1, hq_g, hq_beta, hq_W2, hq_b2).reshape(E, N_HEADS, head_dim)
    e_ids = jnp.arange(E)
    j_start = starts[row]
    j_count = counts[row]
    pos_i = pos[col]
    pos_ji = pos[row] - pos_i
    max_cnt = jnp.max(counts)

    def _slot(within):
        p_safe = jnp.minimum(j_start + within, E - 1)
        e2 = order[p_safe]
        idx_k = row[e2]
        valid = (within < j_count) & (col != idx_k)
        pos_ki = pos[idx_k] - pos_i
        a = jnp.sum(pos_ji * pos_ki, axis=-1)
        b = jnp.sqrt(jnp.sum(jnp.cross(pos_ji, pos_ki) ** 2, axis=-1) + 1e-12)
        angle = jnp.arctan2(b, a)
        a_feat = _angular_encoding(angle)
        kv_input = jnp.concatenate([h_bond[e2], r_feat[e2], r_feat, a_feat], axis=-1)
        seg = jnp.where(valid, e_ids, E)
        return kv_input, seg

    def _logits(kv_input):
        k = _mlp(kv_input, hk_W1, hk_b1, hk_g, hk_beta, hk_W2, hk_b2).reshape(E, N_HEADS, head_dim)
        return jnp.sum(q * k, axis=-1) / np.sqrt(head_dim)

    def _max_body(within, acc):
        kv_input, seg = _slot(within)
        return acc.at[seg].max(_logits(kv_input), mode='drop')

    seg_max = jax.lax.fori_loop(0, max_cnt, _max_body, jnp.full((E, N_HEADS), -jnp.inf, jnp.float32))
    seg_max = jax.lax.stop_gradient(seg_max)

    def _denom_body(within, acc):
        kv_input, seg = _slot(within)
        expv = jnp.exp(_logits(kv_input) - seg_max)
        return acc.at[seg].add(expv, mode='drop')

    denom = jax.lax.fori_loop(0, max_cnt, _denom_body, jnp.zeros((E, N_HEADS), jnp.float32))

    def _out_body(within, acc):
        kv_input, seg = _slot(within)
        expv = jnp.exp(_logits(kv_input) - seg_max)
        v = _mlp(kv_input, hv_W1, hv_b1, hv_g, hv_beta, hv_W2, hv_b2).reshape(E, N_HEADS, head_dim)
        alpha = expv / denom
        return acc.at[seg].add(alpha[..., None] * v, mode='drop')

    output = jax.lax.fori_loop(0, max_cnt, _out_body, jnp.zeros((E, N_HEADS, head_dim), jnp.float32))
    return output.reshape(E, OUTPUT_DIM)

if __name__ == "__main__":
    import jax
    _d = setup_inputs()
    print(jax.jit(kernel)(*tuple(_d.values())))

</pallas_src>

<mosaic_0001>
module attributes {stable_mosaic.version = 14 : i64} {
  func.func @_precompute_kernel(%arg0: i32, %arg1: memref<1000x128xf32, #tpu.memory_space<vmem>>, %arg2: memref<1000x8xf32, #tpu.memory_space<vmem>>, %arg3: memref<1000x8xf32, #tpu.memory_space<vmem>>, %arg4: memref<128x128xf32, #tpu.memory_space<vmem>>, %arg5: memref<1x128xf32, #tpu.memory_space<vmem>>, %arg6: memref<1x128xf32, #tpu.memory_space<vmem>>, %arg7: memref<1x128xf32, #tpu.memory_space<vmem>>, %arg8: memref<128x128xf32, #tpu.memory_space<vmem>>, %arg9: memref<1x128xf32, #tpu.memory_space<vmem>>, %arg10: memref<128x128xf32, #tpu.memory_space<vmem>>, %arg11: memref<20x128xf32, #tpu.memory_space<vmem>>, %arg12: memref<20x128xf32, #tpu.memory_space<vmem>>, %arg13: memref<1x128xf32, #tpu.memory_space<vmem>>, %arg14: memref<128x128xf32, #tpu.memory_space<vmem>>, %arg15: memref<20x128xf32, #tpu.memory_space<vmem>>, %arg16: memref<20x128xf32, #tpu.memory_space<vmem>>, %arg17: memref<1x128xf32, #tpu.memory_space<vmem>>, %arg18: memref<1000x128xf32, #tpu.memory_space<vmem>>, %arg19: memref<1000x128xf32, #tpu.memory_space<vmem>>, %arg20: memref<1000x128xf32, #tpu.memory_space<vmem>>, %arg21: memref<1000x128xf32, #tpu.memory_space<vmem>>, %arg22: memref<1000x128xf32, #tpu.memory_space<vmem>>) attributes {dimension_semantics = [#tpu.dimension_semantics<arbitrary>], iteration_bounds = array<i64: 80>, scalar_prefetch = 0 : i64, scratch_operands = 0 : i64, tpu.core_type = #tpu.core_type<tc>, window_params = [{transform_indices = @transform_0, window_bounds = array<i64: 1000, 128>}, {transform_indices = @transform_1, window_bounds = array<i64: 1000, 8>}, {transform_indices = @transform_2, window_bounds = array<i64: 1000, 8>}, {pipeline_mode = #tpu.pipeline_mode<synchronous>, transform_indices = @transform_3, window_bounds = array<i64: 128, 128>}, {pipeline_mode = #tpu.pipeline_mode<synchronous>, transform_indices = @transform_4, window_bounds = array<i64: 1, 128>}, {pipeline_mode = #tpu.pipeline_mode<synchronous>, transform_indices = @transform_5, window_bounds = array<i64: 1, 128>}, {pipeline_mode = #tpu.pipeline_mode<synchronous>, transform_indices = @transform_6, window_bounds = array<i64: 1, 128>}, {pipeline_mode = #tpu.pipeline_mode<synchronous>, transform_indices = @transform_7, window_bounds = array<i64: 128, 128>}, {pipeline_mode = #tpu.pipeline_mode<synchronous>, transform_indices = @transform_8, window_bounds = array<i64: 1, 128>}, {pipeline_mode = #tpu.pipeline_mode<synchronous>, transform_indices = @transform_9, window_bounds = array<i64: 128, 128>}, {pipeline_mode = #tpu.pipeline_mode<synchronous>, transform_indices = @transform_10, window_bounds = array<i64: 20, 128>}, {pipeline_mode = #tpu.pipeline_mode<synchronous>, transform_indices = @transform_11, window_bounds = array<i64: 20, 128>}, {pipeline_mode = #tpu.pipeline_mode<synchronous>, transform_indices = @transform_12, window_bounds = array<i64: 1, 128>}, {pipeline_mode = #tpu.pipeline_mode<synchronous>, transform_indices = @transform_13, window_bounds = array<i64: 128, 128>}, {pipeline_mode = #tpu.pipeline_mode<synchronous>, transform_indices = @transform_14, window_bounds = array<i64: 20, 128>}, {pipeline_mode = #tpu.pipeline_mode<synchronous>, transform_indices = @transform_15, window_bounds = array<i64: 20, 128>}, {pipeline_mode = #tpu.pipeline_mode<synchronous>, transform_indices = @transform_16, window_bounds = array<i64: 1, 128>}, {transform_indices = @transform_17, window_bounds = array<i64: 1000, 128>}, {transform_indices = @transform_18, window_bounds = array<i64: 1000, 128>}, {transform_indices = @transform_19, window_bounds = array<i64: 1000, 128>}, {transform_indices = @transform_20, window_bounds = array<i64: 1000, 128>}, {transform_indices = @transform_21, window_bounds = array<i64: 1000, 128>}]} {
    %get3A = arith.constant 0 : index
    %get3A_0 = arith.constant 0 : index
    %get3A_1 = vector.load %arg1[%get3A, %get3A_0] : memref<1000x128xf32, #tpu.memory_space<vmem>>, vector<1000x128xf32>
    %get3A_2 = arith.constant 0 : index
    %get3A_3 = arith.constant 0 : index
    %get3A_4 = vector.load %arg2[%get3A_2, %get3A_3] : memref<1000x8xf32, #tpu.memory_space<vmem>>, vector<1000x8xf32>
    %get3A_5 = arith.constant 0 : index
    %get3A_6 = arith.constant 0 : index
    %get3A_7 = vector.load %arg3[%get3A_5, %get3A_6] : memref<1000x8xf32, #tpu.memory_space<vmem>>, vector<1000x8xf32>
    %sub3A = arith.subf %get3A_4, %get3A_7 : vector<1000x8xf32>
    %mul3A = arith.mulf %sub3A, %sub3A : vector<1000x8xf32>
    %reduce_sum3A = arith.constant dense<0.000000e+00> : vector<1000xf32>
    %reduce_sum3A_8 = vector.multi_reduction <add>, %mul3A, %reduce_sum3A [1] : vector<1000x8xf32> to vector<1000xf32>
    %broadcast_in_dim3A = vector.shape_cast %reduce_sum3A_8 : vector<1000xf32> to vector<1000x1xf32>
    %sqrt3A = math.sqrt %broadcast_in_dim3A : vector<1000x1xf32>
    %iota3A = tpu.iota {dimensions = array<i32: 1>} : vector<1000x20xi32>
    %convert_element_type3A = arith.sitofp %iota3A : vector<1000x20xi32> to vector<1000x20xf32>
    %mul3A_9 = arith.constant 0.526315808 : f32
    %mul3A_10 = vector.broadcast %mul3A_9 : f32 to vector<1000x20xf32>
    %mul3A_11 = arith.mulf %convert_element_type3A, %mul3A_10 : vector<1000x20xf32>
    %sub3A_12 = vector.broadcast %sqrt3A : vector<1000x1xf32> to vector<1000x20xf32>
    %sub3A_13 = arith.subf %sub3A_12, %mul3A_11 : vector<1000x20xf32>
    %mul3A_14 = arith.constant -1.805000e+00 : f32
    %mul3A_15 = vector.broadcast %mul3A_14 : f32 to vector<1000x20xf32>
    %mul3A_16 = arith.mulf %mul3A_15, %sub3A_13 : vector<1000x20xf32>
    %mul3A_17 = arith.mulf %mul3A_16, %sub3A_13 : vector<1000x20xf32>
    %exp3A = math.exp %mul3A_17 : vector<1000x20xf32>
    %get3A_18 = arith.constant 0 : index
    %get3A_19 = arith.constant 0 : index
    %get3A_20 = vector.load %arg4[%get3A_18, %get3A_19] : memref<128x128xf32, #tpu.memory_space<vmem>>, vector<128x128xf32>
    %dot_general3A = arith.constant dense<0.000000e+00> : vector<1000x128xf32>
    %dot_general3A_21 = tpu.matmul %get3A_1, %get3A_20, %dot_general3A {dimension_numbers = #tpu.dot_dimension_numbers<[1], [0], [0], [1], [0, 0, 1, 1], [], []>, transpose_lhs_hint = false} : vector<1000x128xf32>, vector<128x128xf32>, vector<1000x128xf32> -> vector<1000x128xf32>
    %get3A_22 = arith.constant 0 : index
    %get3A_23 = arith.constant 0 : index
    %get3A_24 = vector.load %arg5[%get3A_22, %get3A_23] : memref<1x128xf32, #tpu.memory_space<vmem>>, vector<1x128xf32>
    %add3A = vector.broadcast %get3A_24 : vector<1x128xf32> to vector<1000x128xf32>
    %add3A_25 = arith.addf %dot_general3A_21, %add3A : vector<1000x128xf32>
    %get3A_26 = arith.constant 0 : index
    %get3A_27 = arith.constant 0 : index
    %get3A_28 = vector.load %arg6[%get3A_26, %get3A_27] : memref<1x128xf32, #tpu.memory_space<vmem>>, vector<1x128xf32>
    %get3A_29 = arith.constant 0 : index
    %get3A_30 = arith.constant 0 : index
    %get3A_31 = vector.load %arg7[%get3A_29, %get3A_30] : memref<1x128xf32, #tpu.memory_space<vmem>>, vector<1x128xf32>
    %reduce_sum3A_32 = arith.constant dense<0.000000e+00> : vector<1000xf32>
    %reduce_sum3A_33 = vector.multi_reduction <add>, %add3A_25, %reduce_sum3A_32 [1] : vector<1000x128xf32> to vector<1000xf32>
    %broadcast_in_dim3A_34 = vector.shape_cast %reduce_sum3A_33 : vector<1000xf32> to vector<1000x1xf32>
    %div3A = arith.constant 1.280000e+02 : f32
    %div3A_35 = vector.broadcast %div3A : f32 to vector<1000x1xf32>
    %div3A_36 = arith.divf %broadcast_in_dim3A_34, %div3A_35 : vector<1000x1xf32>
    %sub3A_37 = vector.broadcast %div3A_36 : vector<1000x1xf32> to vector<1000x128xf32>
    %sub3A_38 = arith.subf %add3A_25, %sub3A_37 : vector<1000x128xf32>
    %integer_pow3A = arith.mulf %sub3A_38, %sub3A_38 : vector<1000x128xf32>
    %reduce_sum3A_39 = arith.constant dense<0.000000e+00> : vector<1000xf32>
    %reduce_sum3A_40 = vector.multi_reduction <add>, %integer_pow3A, %reduce_sum3A_39 [1] : vector<1000x128xf32> to vector<1000xf32>
    %broadcast_in_dim3A_41 = vector.shape_cast %reduce_sum3A_40 : vector<1000xf32> to vector<1000x1xf32>
    %div3A_42 = arith.constant 1.280000e+02 : f32
    %div3A_43 = vector.broadcast %div3A_42 : f32 to vector<1000x1xf32>
    %div3A_44 = arith.divf %broadcast_in_dim3A_41, %div3A_43 : vector<1000x1xf32>
    %sub3A_45 = vector.broadcast %div3A_36 : vector<1000x1xf32> to vector<1000x128xf32>
    %sub3A_46 = arith.subf %add3A_25, %sub3A_45 : vector<1000x128xf32>
    %add3A_47 = arith.constant 9.99999974E-6 : f32
    %add3A_48 = vector.broadcast %add3A_47 : f32 to vector<1000x1xf32>
    %add3A_49 = arith.addf %div3A_44, %add3A_48 : vector<1000x1xf32>
    %rsqrt3A = math.rsqrt %add3A_49 : vector<1000x1xf32>
    %mul3A_50 = vector.broadcast %rsqrt3A : vector<1000x1xf32> to vector<1000x128xf32>
    %mul3A_51 = arith.mulf %sub3A_46, %mul3A_50 : vector<1000x128xf32>
    %mul3A_52 = vector.broadcast %get3A_28 : vector<1x128xf32> to vector<1000x128xf32>
    %mul3A_53 = arith.mulf %mul3A_51, %mul3A_52 : vector<1000x128xf32>
    %add3A_54 = vector.broadcast %get3A_31 : vector<1x128xf32> to vector<1000x128xf32>
    %add3A_55 = arith.addf %mul3A_53, %add3A_54 : vector<1000x128xf32>
    %max3A = arith.constant 0.000000e+00 : f32
    %max3A_56 = vector.broadcast %max3A : f32 to vector<1000x128xf32>
    %max3A_57 = arith.maximumf %add3A_55, %max3A_56 : vector<1000x128xf32>
    %get3A_58 = arith.constant 0 : index
    %get3A_59 = arith.constant 0 : index
    %get3A_60 = vector.load %arg8[%get3A_58, %get3A_59] : memref<128x128xf32, #tpu.memory_space<vmem>>, vector<128x128xf32>
    %dot_general3A_61 = arith.constant dense<0.000000e+00> : vector<1000x128xf32>
    %dot_general3A_62 = tpu.matmul %max3A_57, %get3A_60, %dot_general3A_61 {dimension_numbers = #tpu.dot_dimension_numbers<[1], [0], [0], [1], [0, 0, 1, 1], [], []>, transpose_lhs_hint = false} : vector<1000x128xf32>, vector<128x128xf32>, vector<1000x128xf32> -> vector<1000x128xf32>
    %get3A_63 = arith.constant 0 : index
    %get3A_64 = arith.constant 0 : index
    %get3A_65 = vector.load %arg9[%get3A_63, %get3A_64] : memref<1x128xf32, #tpu.memory_space<vmem>>, vector<1x128xf32>
    %add3A_66 = vector.broadcast %get3A_65 : vector<1x128xf32> to vector<1000x128xf32>
    %add3A_67 = arith.addf %dot_general3A_62, %add3A_66 : vector<1000x128xf32>
    %swap3A = arith.constant 0 : index
    %swap3A_68 = arith.constant 0 : index
    %swap3A_69 = vector.load %arg18[%swap3A, %swap3A_68] : memref<1000x128xf32, #tpu.memory_space<vmem>>, vector<1000x128xf32>
    tpu.vector_store %arg18[%swap3A, %swap3A_68], %add3A_67 {strides = array<i32>} : memref<1000x128xf32, #tpu.memory_space<vmem>>, vector<1000x128xf32>,
    %get3A_70 = arith.constant 0 : index
    %get3A_71 = arith.constant 0 : index
    %get3A_72 = vector.load %arg10[%get3A_70, %get3A_71] : memref<128x128xf32, #tpu.memory_space<vmem>>, vector<128x128xf32>
    %dot_general3A_73 = arith.constant dense<0.000000e+00> : vector<1000x128xf32>
    %dot_general3A_74 = tpu.matmul %get3A_1, %get3A_72, %dot_general3A_73 {dimension_numbers = #tpu.dot_dimension_numbers<[1], [0], [0], [1], [0, 0, 1, 1], [], []>, transpose_lhs_hint = false} : vector<1000x128xf32>, vector<128x128xf32>, vector<1000x128xf32> -> vector<1000x128xf32>
    %get3A_75 = arith.constant 0 : index
    %get3A_76 = arith.constant 0 : index
    %get3A_77 = vector.load %arg11[%get3A_75, %get3A_76] : memref<20x128xf32, #tpu.memory_space<vmem>>, vector<20x128xf32>
    %dot_general3A_78 = arith.constant dense<0.000000e+00> : vector<1000x128xf32>
    %dot_general3A_79 = tpu.matmul %exp3A, %get3A_77, %dot_general3A_78 {dimension_numbers = #tpu.dot_dimension_numbers<[1], [0], [0], [1], [0, 0, 1, 1], [], []>, transpose_lhs_hint = false} : vector<1000x20xf32>, vector<20x128xf32>, vector<1000x128xf32> -> vector<1000x128xf32>
    %add3A_80 = arith.addf %dot_general3A_74, %dot_general3A_79 : vector<1000x128xf32>
    %swap3A_81 = arith.constant 0 : index
    %swap3A_82 = arith.constant 0 : index
    %swap3A_83 = vector.load %arg19[%swap3A_81, %swap3A_82] : memref<1000x128xf32, #tpu.memory_space<vmem>>, vector<1000x128xf32>
    tpu.vector_store %arg19[%swap3A_81, %swap3A_82], %add3A_80 {strides = array<i32>} : memref<1000x128xf32, #tpu.memory_space<vmem>>, vector<1000x128xf32>,
    %get3A_84 = arith.constant 0 : index
    %get3A_85 = arith.constant 0 : index
    %get3A_86 = vector.load %arg14[%get3A_84, %get3A_85] : memref<128x128xf32, #tpu.memory_space<vmem>>, vector<128x128xf32>
    %dot_general3A_87 = arith.constant dense<0.000000e+00> : vector<1000x128xf32>
    %dot_general3A_88 = tpu.matmul %get3A_1, %get3A_86, %dot_general3A_87 {dimension_numbers = #tpu.dot_dimension_numbers<[1], [0], [0], [1], [0, 0, 1, 1], [], []>, transpose_lhs_hint = false} : vector<1000x128xf32>, vector<128x128xf32>, vector<1000x128xf32> -> vector<1000x128xf32>
    %get3A_89 = arith.constant 0 : index
    %get3A_90 = arith.constant 0 : index
    %get3A_91 = vector.load %arg15[%get3A_89, %get3A_90] : memref<20x128xf32, #tpu.memory_space<vmem>>, vector<20x128xf32>
    %dot_general3A_92 = arith.constant dense<0.000000e+00> : vector<1000x128xf32>
    %dot_general3A_93 = tpu.matmul %exp3A, %get3A_91, %dot_general3A_92 {dimension_numbers = #tpu.dot_dimension_numbers<[1], [0], [0], [1], [0, 0, 1, 1], [], []>, transpose_lhs_hint = false} : vector<1000x20xf32>, vector<20x128xf32>, vector<1000x128xf32> -> vector<1000x128xf32>
    %add3A_94 = arith.addf %dot_general3A_88, %dot_general3A_93 : vector<1000x128xf32>
    %swap3A_95 = arith.constant 0 : index
    %swap3A_96 = arith.constant 0 : index
    %swap3A_97 = vector.load %arg20[%swap3A_95, %swap3A_96] : memref<1000x128xf32, #tpu.memory_space<vmem>>, vector<1000x128xf32>
    tpu.vector_store %arg20[%swap3A_95, %swap3A_96], %add3A_94 {strides = array<i32>} : memref<1000x128xf32, #tpu.memory_space<vmem>>, vector<1000x128xf32>,
    %get3A_98 = arith.constant 0 : index
    %get3A_99 = arith.constant 0 : index
    %get3A_100 = vector.load %arg12[%get3A_98, %get3A_99] : memref<20x128xf32, #tpu.memory_space<vmem>>, vector<20x128xf32>
    %dot_general3A_101 = arith.constant dense<0.000000e+00> : vector<1000x128xf32>
    %dot_general3A_102 = tpu.matmul %exp3A, %get3A_100, %dot_general3A_101 {dimension_numbers = #tpu.dot_dimension_numbers<[1], [0], [0], [1], [0, 0, 1, 1], [], []>, transpose_lhs_hint = false} : vector<1000x20xf32>, vector<20x128xf32>, vector<1000x128xf32> -> vector<1000x128xf32>
    %get3A_103 = arith.constant 0 : index
    %get3A_104 = arith.constant 0 : index
    %get3A_105 = vector.load %arg13[%get3A_103, %get3A_104] : memref<1x128xf32, #tpu.memory_space<vmem>>, vector<1x128xf32>
    %add3A_106 = vector.broadcast %get3A_105 : vector<1x128xf32> to vector<1000x128xf32>
    %add3A_107 = arith.addf %dot_general3A_102, %add3A_106 : vector<1000x128xf32>
    %swap3A_108 = arith.constant 0 : index
    %swap3A_109 = arith.constant 0 : index
    %swap3A_110 = vector.load %arg21[%swap3A_108, %swap3A_109] : memref<1000x128xf32, #tpu.memory_space<vmem>>, vector<1000x128xf32>
    tpu.vector_store %arg21[%swap3A_108, %swap3A_109], %add3A_107 {strides = array<i32>} : memref<1000x128xf32, #tpu.memory_space<vmem>>, vector<1000x128xf32>,
    %get3A_111 = arith.constant 0 : index
    %get3A_112 = arith.constant 0 : index
    %get3A_113 = vector.load %arg16[%get3A_111, %get3A_112] : memref<20x128xf32, #tpu.memory_space<vmem>>, vector<20x128xf32>
    %dot_general3A_114 = arith.constant dense<0.000000e+00> : vector<1000x128xf32>
    %dot_general3A_115 = tpu.matmul %exp3A, %get3A_113, %dot_general3A_114 {dimension_numbers = #tpu.dot_dimension_numbers<[1], [0], [0], [1], [0, 0, 1, 1], [], []>, transpose_lhs_hint = false} : vector<1000x20xf32>, vector<20x128xf32>, vector<1000x128xf32> -> vector<1000x128xf32>
    %get3A_116 = arith.constant 0 : index
    %get3A_117 = arith.constant 0 : index
    %get3A_118 = vector.load %arg17[%get3A_116, %get3A_117] : memref<1x128xf32, #tpu.memory_space<vmem>>, vector<1x128xf32>
    %add3A_119 = vector.broadcast %get3A_118 : vector<1x128xf32> to vector<1000x128xf32>
    %add3A_120 = arith.addf %dot_general3A_115, %add3A_119 : vector<1000x128xf32>
    %swap3A_121 = arith.constant 0 : index
    %swap3A_122 = arith.constant 0 : index
    %swap3A_123 = vector.load %arg22[%swap3A_121, %swap3A_122] : memref<1000x128xf32, #tpu.memory_space<vmem>>, vector<1000x128xf32>
    tpu.vector_store %arg22[%swap3A_121, %swap3A_122], %add3A_120 {strides = array<i32>} : memref<1000x128xf32, #tpu.memory_space<vmem>>, vector<1000x128xf32>,
    return
  }
  func.func @transform_0(%arg0: i32) -> (i32, i32) {
    %c0_i32 = arith.constant 0 : i32
    %c0_i32_0 = arith.constant 0 : i32
    return %arg0, %c0_i32 : i32, i32
  }
  func.func @transform_1(%arg0: i32) -> (i32, i32) {
    %c0_i32 = arith.constant 0 : i32
    %c0_i32_0 = arith.constant 0 : i32
    return %arg0, %c0_i32 : i32, i32
  }
  func.func @transform_2(%arg0: i32) -> (i32, i32) {
    %c0_i32 = arith.constant 0 : i32
    %c0_i32_0 = arith.constant 0 : i32
    return %arg0, %c0_i32 : i32, i32
  }
  func.func @transform_3(%arg0: i32) -> (i32, i32) {
    %c0_i32 = arith.constant 0 : i32
    %c0_i32_0 = arith.constant 0 : i32
    %c0_i32_1 = arith.constant 0 : i32
    return %c0_i32, %c0_i32_0 : i32, i32
  }
  func.func @transform_4(%arg0: i32) -> (i32, i32) {
    %c0_i32 = arith.constant 0 : i32
    %c0_i32_0 = arith.constant 0 : i32
    %c0_i32_1 = arith.constant 0 : i32
    return %c0_i32, %c0_i32_0 : i32, i32
  }
  func.func @transform_5(%arg0: i32) -> (i32, i32) {
    %c0_i32 = arith.constant 0 : i32
    %c0_i32_0 = arith.constant 0 : i32
    %c0_i32_1 = arith.constant 0 : i32
    return %c0_i32, %c0_i32_0 : i32, i32
  }
  func.func @transform_6(%arg0: i32) -> (i32, i32) {
    %c0_i32 = arith.constant 0 : i32
    %c0_i32_0 = arith.constant 0 : i32
    %c0_i32_1 = arith.constant 0 : i32
    return %c0_i32, %c0_i32_0 : i32, i32
  }
  func.func @transform_7(%arg0: i32) -> (i32, i32) {
    %c0_i32 = arith.constant 0 : i32
    %c0_i32_0 = arith.constant 0 : i32
    %c0_i32_1 = arith.constant 0 : i32
    return %c0_i32, %c0_i32_0 : i32, i32
  }
  func.func @transform_8(%arg0: i32) -> (i32, i32) {
    %c0_i32 = arith.constant 0 : i32
    %c0_i32_0 = arith.constant 0 : i32
    %c0_i32_1 = arith.constant 0 : i32
    return %c0_i32, %c0_i32_0 : i32, i32
  }
  func.func @transform_9(%arg0: i32) -> (i32, i32) {
    %c0_i32 = arith.constant 0 : i32
    %c0_i32_0 = arith.constant 0 : i32
    %c0_i32_1 = arith.constant 0 : i32
    return %c0_i32, %c0_i32_0 : i32, i32
  }
  func.func @transform_10(%arg0: i32) -> (i32, i32) {
    %c0_i32 = arith.constant 0 : i32
    %c0_i32_0 = arith.constant 0 : i32
    %c0_i32_1 = arith.constant 0 : i32
    return %c0_i32, %c0_i32_0 : i32, i32
  }
  func.func @transform_11(%arg0: i32) -> (i32, i32) {
    %c0_i32 = arith.constant 0 : i32
    %c0_i32_0 = arith.constant 0 : i32
    %c0_i32_1 = arith.constant 0 : i32
    return %c0_i32, %c0_i32_0 : i32, i32
  }
  func.func @transform_12(%arg0: i32) -> (i32, i32) {
    %c0_i32 = arith.constant 0 : i32
    %c0_i32_0 = arith.constant 0 : i32
    %c0_i32_1 = arith.constant 0 : i32
    return %c0_i32, %c0_i32_0 : i32, i32
  }
  func.func @transform_13(%arg0: i32) -> (i32, i32) {
    %c0_i32 = arith.constant 0 : i32
    %c0_i32_0 = arith.constant 0 : i32
    %c0_i32_1 = arith.constant 0 : i32
    return %c0_i32, %c0_i32_0 : i32, i32
  }
  func.func @transform_14(%arg0: i32) -> (i32, i32) {
    %c0_i32 = arith.constant 0 : i32
    %c0_i32_0 = arith.constant 0 : i32
    %c0_i32_1 = arith.constant 0 : i32
    return %c0_i32, %c0_i32_0 : i32, i32
  }
  func.func @transform_15(%arg0: i32) -> (i32, i32) {
    %c0_i32 = arith.constant 0 : i32
    %c0_i32_0 = arith.constant 0 : i32
    %c0_i32_1 = arith.constant 0 : i32
    return %c0_i32, %c0_i32_0 : i32, i32
  }
  func.func @transform_16(%arg0: i32) -> (i32, i32) {
    %c0_i32 = arith.constant 0 : i32
    %c0_i32_0 = arith.constant 0 : i32
    %c0_i32_1 = arith.constant 0 : i32
    return %c0_i32, %c0_i32_0 : i32, i32
  }
  func.func @transform_17(%arg0: i32) -> (i32, i32) {
    %c0_i32 = arith.constant 0 : i32
    %c0_i32_0 = arith.constant 0 : i32
    return %arg0, %c0_i32 : i32, i32
  }
  func.func @transform_18(%arg0: i32) -> (i32, i32) {
    %c0_i32 = arith.constant 0 : i32
    %c0_i32_0 = arith.constant 0 : i32
    return %arg0, %c0_i32 : i32, i32
  }
  func.func @transform_19(%arg0: i32) -> (i32, i32) {
    %c0_i32 = arith.constant 0 : i32
    %c0_i32_0 = arith.constant 0 : i32
    return %arg0, %c0_i32 : i32, i32
  }
  func.func @transform_20(%arg0: i32) -> (i32, i32) {
    %c0_i32 = arith.constant 0 : i32
    %c0_i32_0 = arith.constant 0 : i32
    return %arg0, %c0_i32 : i32, i32
  }
  func.func @transform_21(%arg0: i32) -> (i32, i32) {
    %c0_i32 = arith.constant 0 : i32
    %c0_i32_0 = arith.constant 0 : i32
    return %arg0, %c0_i32 : i32, i32
  }
}

module attributes {stable_mosaic.version = 14 : i64} {
  func.func @_slot_kernel(%arg0: i32, %arg1: memref<1000x128xf32, #tpu.memory_space<vmem>>, %arg2: memref<1000x128xf32, #tpu.memory_space<vmem>>, %arg3: memref<1000x8xf32, #tpu.memory_space<vmem>>, %arg4: memref<1000x1xi32, #tpu.memory_space<vmem>>, %arg5: memref<1000x128xf32, #tpu.memory_space<vmem>>, %arg6: memref<1000x128xf32, #tpu.memory_space<vmem>>, %arg7: memref<1000x128xf32, #tpu.memory_space<vmem>>, %arg8: memref<1000x8xf32, #tpu.memory_space<vmem>>, %arg9: memref<1000x8xf32, #tpu.memory_space<vmem>>, %arg10: memref<1x8xf32, #tpu.memory_space<vmem>>, %arg11: memref<16x128xf32, #tpu.memory_space<vmem>>, %arg12: memref<1x128xf32, #tpu.memory_space<vmem>>, %arg13: memref<1x128xf32, #tpu.memory_space<vmem>>, %arg14: memref<128x128xf32, #tpu.memory_space<vmem>>, %arg15: memref<16x128xf32, #tpu.memory_space<vmem>>, %arg16: memref<1x128xf32, #tpu.memory_space<vmem>>, %arg17: memref<1x128xf32, #tpu.memory_space<vmem>>, %arg18: memref<128x128xf32, #tpu.memory_space<vmem>>, %arg19: memref<1x128xf32, #tpu.memory_space<vmem>>, %arg20: memref<128x16xf32, #tpu.memory_space<vmem>>, %arg21: memref<16x128xf32, #tpu.memory_space<vmem>>, %arg22: memref<1000x16xf32, #tpu.memory_space<vmem>>, %arg23: memref<1000x16xf32, #tpu.memory_space<vmem>>, %arg24: memref<1000x128xf32, #tpu.memory_space<vmem>>, %arg25: memref<1000x16xf32, #tpu.memory_space<vmem>>, %arg26: memref<1000x16xf32, #tpu.memory_space<vmem>>, %arg27: memref<1000x128xf32, #tpu.memory_space<vmem>>) attributes {dimension_semantics = [#tpu.dimension_semantics<arbitrary>], iteration_bounds = array<i64: 80>, scalar_prefetch = 0 : i64, scratch_operands = 0 : i64, tpu.core_type = #tpu.core_type<tc>, window_params = [{transform_indices = @transform_0, window_bounds = array<i64: 1000, 128>}, {transform_indices = @transform_1, window_bounds = array<i64: 1000, 128>}, {transform_indices = @transform_2, window_bounds = array<i64: 1000, 8>}, {transform_indices = @transform_3, window_bounds = array<i64: 1000, 1>}, {transform_indices = @transform_4, window_bounds = array<i64: 1000, 128>}, {transform_indices = @transform_5, window_bounds = array<i64: 1000, 128>}, {transform_indices = @transform_6, window_bounds = array<i64: 1000, 128>}, {transform_indices = @transform_7, window_bounds = array<i64: 1000, 8>}, {transform_indices = @transform_8, window_bounds = array<i64: 1000, 8>}, {pipeline_mode = #tpu.pipeline_mode<synchronous>, transform_indices = @transform_9, window_bounds = array<i64: 1, 8>}, {pipeline_mode = #tpu.pipeline_mode<synchronous>, transform_indices = @transform_10, window_bounds = array<i64: 16, 128>}, {pipeline_mode = #tpu.pipeline_mode<synchronous>, transform_indices = @transform_11, window_bounds = array<i64: 1, 128>}, {pipeline_mode = #tpu.pipeline_mode<synchronous>, transform_indices = @transform_12, window_bounds = array<i64: 1, 128>}, {pipeline_mode = #tpu.pipeline_mode<synchronous>, transform_indices = @transform_13, window_bounds = array<i64: 128, 128>}, {pipeline_mode = #tpu.pipeline_mode<synchronous>, transform_indices = @transform_14, window_bounds = array<i64: 16, 128>}, {pipeline_mode = #tpu.pipeline_mode<synchronous>, transform_indices = @transform_15, window_bounds = array<i64: 1, 128>}, {pipeline_mode = #tpu.pipeline_mode<synchronous>, transform_indices = @transform_16, window_bounds = array<i64: 1, 128>}, {pipeline_mode = #tpu.pipeline_mode<synchronous>, transform_indices = @transform_17, window_bounds = array<i64: 128, 128>}, {pipeline_mode = #tpu.pipeline_mode<synchronous>, transform_indices = @transform_18, window_bounds = array<i64: 1, 128>}, {pipeline_mode = #tpu.pipeline_mode<synchronous>, transform_indices = @transform_19, window_bounds = array<i64: 128, 16>}, {pipeline_mode = #tpu.pipeline_mode<synchronous>, transform_indices = @transform_20, window_bounds = array<i64: 16, 128>}, {transform_indices = @transform_21, window_bounds = array<i64: 1000, 16>}, {transform_indices = @transform_22, window_bounds = array<i64: 1000, 16>}, {transform_indices = @transform_23, window_bounds = array<i64: 1000, 128>}, {transform_indices = @transform_24, window_bounds = array<i64: 1000, 16>}, {transform_indices = @transform_25, window_bounds = array<i64: 1000, 16>}, {transform_indices = @transform_26, window_bounds = array<i64: 1000, 128>}]} {
    %get3A = arith.constant 0 : index
    %get3A_0 = arith.constant 0 : index
    %get3A_1 = vector.load %arg8[%get3A, %get3A_0] : memref<1000x8xf32, #tpu.memory_space<vmem>>, vector<1000x8xf32>
    %get3A_2 = arith.constant 0 : index
    %get3A_3 = arith.constant 0 : index
    %get3A_4 = vector.load %arg3[%get3A_2, %get3A_3] : memref<1000x8xf32, #tpu.memory_space<vmem>>, vector<1000x8xf32>
    %get3A_5 = arith.constant 0 : index
    %get3A_6 = arith.constant 0 : index
    %get3A_7 = vector.load %arg9[%get3A_5, %get3A_6] : memref<1000x8xf32, #tpu.memory_space<vmem>>, vector<1000x8xf32>
    %sub3A = arith.subf %get3A_4, %get3A_7 : vector<1000x8xf32>
    %mul3A = arith.mulf %get3A_1, %sub3A : vector<1000x8xf32>
    %reduce_sum3A = arith.constant dense<0.000000e+00> : vector<1000xf32>
    %reduce_sum3A_8 = vector.multi_reduction <add>, %mul3A, %reduce_sum3A [1] : vector<1000x8xf32> to vector<1000xf32>
    %broadcast_in_dim3A = vector.shape_cast %reduce_sum3A_8 : vector<1000xf32> to vector<1000x1xf32>
    %slice3A = vector.extract_strided_slice %get3A_1 {offsets = [0, 0], sizes = [1000, 1], strides = [1, 1]} : vector<1000x8xf32> to vector<1000x1xf32>
    %slice3A_9 = vector.extract_strided_slice %get3A_1 {offsets = [0, 1], sizes = [1000, 1], strides = [1, 1]} : vector<1000x8xf32> to vector<1000x1xf32>
    %slice3A_10 = vector.extract_strided_slice %get3A_1 {offsets = [0, 2], sizes = [1000, 1], strides = [1, 1]} : vector<1000x8xf32> to vector<1000x1xf32>
    %slice3A_11 = vector.extract_strided_slice %sub3A {offsets = [0, 0], sizes = [1000, 1], strides = [1, 1]} : vector<1000x8xf32> to vector<1000x1xf32>
    %slice3A_12 = vector.extract_strided_slice %sub3A {offsets = [0, 1], sizes = [1000, 1], strides = [1, 1]} : vector<1000x8xf32> to vector<1000x1xf32>
    %slice3A_13 = vector.extract_strided_slice %sub3A {offsets = [0, 2], sizes = [1000, 1], strides = [1, 1]} : vector<1000x8xf32> to vector<1000x1xf32>
    %mul3A_14 = arith.mulf %slice3A_9, %slice3A_13 : vector<1000x1xf32>
    %mul3A_15 = arith.mulf %slice3A_10, %slice3A_12 : vector<1000x1xf32>
    %sub3A_16 = arith.subf %mul3A_14, %mul3A_15 : vector<1000x1xf32>
    %mul3A_17 = arith.mulf %slice3A_10, %slice3A_11 : vector<1000x1xf32>
    %mul3A_18 = arith.mulf %slice3A, %slice3A_13 : vector<1000x1xf32>
    %sub3A_19 = arith.subf %mul3A_17, %mul3A_18 : vector<1000x1xf32>
    %mul3A_20 = arith.mulf %slice3A, %slice3A_12 : vector<1000x1xf32>
    %mul3A_21 = arith.mulf %slice3A_9, %slice3A_11 : vector<1000x1xf32>
    %sub3A_22 = arith.subf %mul3A_20, %mul3A_21 : vector<1000x1xf32>
    %mul3A_23 = arith.mulf %sub3A_16, %sub3A_16 : vector<1000x1xf32>
    %mul3A_24 = arith.mulf %sub3A_19, %sub3A_19 : vector<1000x1xf32>
    %add3A = arith.addf %mul3A_23, %mul3A_24 : vector<1000x1xf32>
    %mul3A_25 = arith.mulf %sub3A_22, %sub3A_22 : vector<1000x1xf32>
    %add3A_26 = arith.addf %add3A, %mul3A_25 : vector<1000x1xf32>
    %add3A_27 = arith.constant 9.99999996E-13 : f32
    %add3A_28 = vector.broadcast %add3A_27 : f32 to vector<1000x1xf32>
    %add3A_29 = arith.addf %add3A_26, %add3A_28 : vector<1000x1xf32>
    %sqrt3A = math.sqrt %add3A_29 : vector<1000x1xf32>
    %atan23A = math.atan2 %sqrt3A, %broadcast_in_dim3A : vector<1000x1xf32>
    %get3A_30 = arith.constant 0 : index
    %get3A_31 = arith.constant 0 : index
    %get3A_32 = vector.load %arg10[%get3A_30, %get3A_31] : memref<1x8xf32, #tpu.memory_space<vmem>>, vector<1x8xf32>
    %slice3A_33 = vector.extract_strided_slice %get3A_32 {offsets = [0, 0], sizes = [1, 6], strides = [1, 1]} : vector<1x8xf32> to vector<1x6xf32>
    %mul3A_34 = vector.broadcast %atan23A : vector<1000x1xf32> to vector<1000x6xf32>
    %mul3A_35 = vector.broadcast %slice3A_33 : vector<1x6xf32> to vector<1000x6xf32>
    %mul3A_36 = arith.mulf %mul3A_34, %mul3A_35 : vector<1000x6xf32>
    %sin3A = math.sin %mul3A_36 : vector<1000x6xf32>
    %cos3A = math.cos %mul3A_36 : vector<1000x6xf32>
    %get3A_37 = arith.constant 0 : index
    %get3A_38 = arith.constant 0 : index
    %get3A_39 = vector.load %arg4[%get3A_37, %get3A_38] : memref<1000x1xi32, #tpu.memory_space<vmem>>, vector<1000x1xi32>
    %gt3A = arith.constant 0 : i32
    %gt3A_40 = vector.broadcast %gt3A : i32 to vector<1000x1xi32>
    %gt3A_41 = arith.cmpi sgt, %get3A_39, %gt3A_40 : vector<1000x1xi32>
    %get3A_42 = arith.constant 0 : index
    %get3A_43 = arith.constant 0 : index
    %get3A_44 = vector.load %arg1[%get3A_42, %get3A_43] : memref<1000x128xf32, #tpu.memory_space<vmem>>, vector<1000x128xf32>
    %get3A_45 = arith.constant 0 : index
    %get3A_46 = arith.constant 0 : index
    %get3A_47 = vector.load %arg5[%get3A_45, %get3A_46] : memref<1000x128xf32, #tpu.memory_space<vmem>>, vector<1000x128xf32>
    %add3A_48 = arith.addf %get3A_44, %get3A_47 : vector<1000x128xf32>
    %get3A_49 = arith.constant 0 : index
    %get3A_50 = arith.constant 0 : index
    %get3A_51 = vector.load %arg11[%get3A_49, %get3A_50] : memref<16x128xf32, #tpu.memory_space<vmem>>, vector<16x128xf32>
    %slice3A_52 = vector.extract_strided_slice %get3A_51 {offsets = [0, 0], sizes = [1, 128], strides = [1, 1]} : vector<16x128xf32> to vector<1x128xf32>
    %mul3A_53 = vector.broadcast %atan23A : vector<1000x1xf32> to vector<1000x128xf32>
    %mul3A_54 = vector.broadcast %slice3A_52 : vector<1x128xf32> to vector<1000x128xf32>
    %mul3A_55 = arith.mulf %mul3A_53, %mul3A_54 : vector<1000x128xf32>
    %slice3A_56 = vector.extract_strided_slice %get3A_51 {offsets = [1, 0], sizes = [6, 128], strides = [1, 1]} : vector<16x128xf32> to vector<6x128xf32>
    %dot_general3A = arith.constant dense<0.000000e+00> : vector<1000x128xf32>
    %dot_general3A_57 = tpu.matmul %sin3A, %slice3A_56, %dot_general3A {dimension_numbers = #tpu.dot_dimension_numbers<[1], [0], [0], [1], [0, 0, 1, 1], [], []>, transpose_lhs_hint = false} : vector<1000x6xf32>, vector<6x128xf32>, vector<1000x128xf32> -> vector<1000x128xf32>
    %add3A_58 = arith.addf %mul3A_55, %dot_general3A_57 : vector<1000x128xf32>
    %slice3A_59 = vector.extract_strided_slice %get3A_51 {offsets = [7, 0], sizes = [6, 128], strides = [1, 1]} : vector<16x128xf32> to vector<6x128xf32>
    %dot_general3A_60 = arith.constant dense<0.000000e+00> : vector<1000x128xf32>
    %dot_general3A_61 = tpu.matmul %cos3A, %slice3A_59, %dot_general3A_60 {dimension_numbers = #tpu.dot_dimension_numbers<[1], [0], [0], [1], [0, 0, 1, 1], [], []>, transpose_lhs_hint = false} : vector<1000x6xf32>, vector<6x128xf32>, vector<1000x128xf32> -> vector<1000x128xf32>
    %add3A_62 = arith.addf %add3A_58, %dot_general3A_61 : vector<1000x128xf32>
    %add3A_63 = arith.addf %add3A_48, %add3A_62 : vector<1000x128xf32>
    %get3A_64 = arith.constant 0 : index
    %get3A_65 = arith.constant 0 : index
    %get3A_66 = vector.load %arg12[%get3A_64, %get3A_65] : memref<1x128xf32, #tpu.memory_space<vmem>>, vector<1x128xf32>
    %get3A_67 = arith.constant 0 : index
    %get3A_68 = arith.constant 0 : index
    %get3A_69 = vector.load %arg13[%get3A_67, %get3A_68] : memref<1x128xf32, #tpu.memory_space<vmem>>, vector<1x128xf32>
    %reduce_sum3A_70 = arith.constant dense<0.000000e+00> : vector<1000xf32>
    %reduce_sum3A_71 = vector.multi_reduction <add>, %add3A_63, %reduce_sum3A_70 [1] : vector<1000x128xf32> to vector<1000xf32>
    %broadcast_in_dim3A_72 = vector.shape_cast %reduce_sum3A_71 : vector<1000xf32> to vector<1000x1xf32>
    %div3A = arith.constant 1.280000e+02 : f32
    %div3A_73 = vector.broadcast %div3A : f32 to vector<1000x1xf32>
    %div3A_74 = arith.divf %broadcast_in_dim3A_72, %div3A_73 : vector<1000x1xf32>
    %sub3A_75 = vector.broadcast %div3A_74 : vector<1000x1xf32> to vector<1000x128xf32>
    %sub3A_76 = arith.subf %add3A_63, %sub3A_75 : vector<1000x128xf32>
    %integer_pow3A = arith.mulf %sub3A_76, %sub3A_76 : vector<1000x128xf32>
    %reduce_sum3A_77 = arith.constant dense<0.000000e+00> : vector<1000xf32>
    %reduce_sum3A_78 = vector.multi_reduction <add>, %integer_pow3A, %reduce_sum3A_77 [1] : vector<1000x128xf32> to vector<1000xf32>
    %broadcast_in_dim3A_79 = vector.shape_cast %reduce_sum3A_78 : vector<1000xf32> to vector<1000x1xf32>
    %div3A_80 = arith.constant 1.280000e+02 : f32
    %div3A_81 = vector.broadcast %div3A_80 : f32 to vector<1000x1xf32>
    %div3A_82 = arith.divf %broadcast_in_dim3A_79, %div3A_81 : vector<1000x1xf32>
    %sub3A_83 = vector.broadcast %div3A_74 : vector<1000x1xf32> to vector<1000x128xf32>
    %sub3A_84 = arith.subf %add3A_63, %sub3A_83 : vector<1000x128xf32>
    %add3A_85 = arith.constant 9.99999974E-6 : f32
    %add3A_86 = vector.broadcast %add3A_85 : f32 to vector<1000x1xf32>
    %add3A_87 = arith.addf %div3A_82, %add3A_86 : vector<1000x1xf32>
    %rsqrt3A = math.rsqrt %add3A_87 : vector<1000x1xf32>
    %mul3A_88 = vector.broadcast %rsqrt3A : vector<1000x1xf32> to vector<1000x128xf32>
    %mul3A_89 = arith.mulf %sub3A_84, %mul3A_88 : vector<1000x128xf32>
    %mul3A_90 = vector.broadcast %get3A_66 : vector<1x128xf32> to vector<1000x128xf32>
    %mul3A_91 = arith.mulf %mul3A_89, %mul3A_90 : vector<1000x128xf32>
    %add3A_92 = vector.broadcast %get3A_69 : vector<1x128xf32> to vector<1000x128xf32>
    %add3A_93 = arith.addf %mul3A_91, %add3A_92 : vector<1000x128xf32>
    %max3A = arith.constant 0.000000e+00 : f32
    %max3A_94 = vector.broadcast %max3A : f32 to vector<1000x128xf32>
    %max3A_95 = arith.maximumf %add3A_93, %max3A_94 : vector<1000x128xf32>
    %get3A_96 = arith.constant 0 : index
    %get3A_97 = arith.constant 0 : index
    %get3A_98 = vector.load %arg14[%get3A_96, %get3A_97] : memref<128x128xf32, #tpu.memory_space<vmem>>, vector<128x128xf32>
    %dot_general3A_99 = arith.constant dense<0.000000e+00> : vector<1000x128xf32>
    %dot_general3A_100 = tpu.matmul %max3A_95, %get3A_98, %dot_general3A_99 {dimension_numbers = #tpu.dot_dimension_numbers<[1], [0], [0], [1], [0, 0, 1, 1], [], []>, transpose_lhs_hint = false} : vector<1000x128xf32>, vector<128x128xf32>, vector<1000x128xf32> -> vector<1000x128xf32>
    %get3A_101 = arith.constant 0 : index
    %get3A_102 = arith.constant 0 : index
    %get3A_103 = vector.load %arg7[%get3A_101, %get3A_102] : memref<1000x128xf32, #tpu.memory_space<vmem>>, vector<1000x128xf32>
    %mul3A_104 = arith.mulf %get3A_103, %dot_general3A_100 : vector<1000x128xf32>
    %get3A_105 = arith.constant 0 : index
    %get3A_106 = arith.constant 0 : index
    %get3A_107 = vector.load %arg20[%get3A_105, %get3A_106] : memref<128x16xf32, #tpu.memory_space<vmem>>, vector<128x16xf32>
    %dot_general3A_108 = arith.constant dense<0.000000e+00> : vector<1000x16xf32>
    %dot_general3A_109 = tpu.matmul %mul3A_104, %get3A_107, %dot_general3A_108 {dimension_numbers = #tpu.dot_dimension_numbers<[1], [0], [0], [1], [0, 0, 1, 1], [], []>, transpose_lhs_hint = false} : vector<1000x128xf32>, vector<128x16xf32>, vector<1000x16xf32> -> vector<1000x16xf32>
    %mul3A_110 = arith.constant 0.353553385 : f32
    %mul3A_111 = vector.broadcast %mul3A_110 : f32 to vector<1000x16xf32>
    %mul3A_112 = arith.mulf %dot_general3A_109, %mul3A_111 : vector<1000x16xf32>
    %jit3A = arith.constant 0xFF800000 : f32
    %broadcast_in_dim3A_113 = vector.shape_cast %gt3A_41 : vector<1000x1xi1> to vector<1000x1xi1>
    %broadcast_in_dim3A_114 = vector.broadcast %broadcast_in_dim3A_113 : vector<1000x1xi1> to vector<1000x16xi1>
    %broadcast_in_dim3A_115 = vector.broadcast %jit3A : f32 to vector<1000x16xf32>
    %select_n3A = arith.select %broadcast_in_dim3A_114, %mul3A_112, %broadcast_in_dim3A_115 : vector<1000x16xi1>, vector<1000x16xf32>
    %get3A_116 = arith.constant 0 : index
    %get3A_117 = arith.constant 0 : index
    %get3A_118 = vector.load %arg22[%get3A_116, %get3A_117] : memref<1000x16xf32, #tpu.memory_space<vmem>>, vector<1000x16xf32>
    %max3A_119 = arith.maximumf %get3A_118, %select_n3A : vector<1000x16xf32>
    %eq3A = arith.constant 0xFF800000 : f32
    %eq3A_120 = vector.broadcast %eq3A : f32 to vector<1000x16xf32>
    %eq3A_121 = arith.cmpf oeq, %max3A_119, %eq3A_120 : vector<1000x16xf32>
    %sub3A_122 = arith.subf %get3A_118, %max3A_119 : vector<1000x16xf32>
    %exp3A = math.exp %sub3A_122 : vector<1000x16xf32>
    %jit3A_123 = arith.constant 0.000000e+00 : f32
    %broadcast_in_dim3A_124 = vector.broadcast %jit3A_123 : f32 to vector<1000x16xf32>
    %select_n3A_125 = arith.select %eq3A_121, %broadcast_in_dim3A_124, %exp3A : vector<1000x16xi1>, vector<1000x16xf32>
    %sub3A_126 = arith.subf %mul3A_112, %max3A_119 : vector<1000x16xf32>
    %exp3A_127 = math.exp %sub3A_126 : vector<1000x16xf32>
    %jit3A_128 = arith.constant 0.000000e+00 : f32
    %broadcast_in_dim3A_129 = vector.shape_cast %gt3A_41 : vector<1000x1xi1> to vector<1000x1xi1>
    %broadcast_in_dim3A_130 = vector.broadcast %broadcast_in_dim3A_129 : vector<1000x1xi1> to vector<1000x16xi1>
    %broadcast_in_dim3A_131 = vector.broadcast %jit3A_128 : f32 to vector<1000x16xf32>
    %select_n3A_132 = arith.select %broadcast_in_dim3A_130, %exp3A_127, %broadcast_in_dim3A_131 : vector<1000x16xi1>, vector<1000x16xf32>
    %swap3A = arith.constant 0 : index
    %swap3A_133 = arith.constant 0 : index
    %swap3A_134 = vector.load %arg25[%swap3A, %swap3A_133] : memref<1000x16xf32, #tpu.memory_space<vmem>>, vector<1000x16xf32>
    tpu.vector_store %arg25[%swap3A, %swap3A_133], %max3A_119 {strides = array<i32>} : memref<1000x16xf32, #tpu.memory_space<vmem>>, vector<1000x16xf32>,
    %get3A_135 = arith.constant 0 : index
    %get3A_136 = arith.constant 0 : index
    %get3A_137 = vector.load %arg23[%get3A_135, %get3A_136] : memref<1000x16xf32, #tpu.memory_space<vmem>>, vector<1000x16xf32>
    %mul3A_138 = arith.mulf %get3A_137, %select_n3A_125 : vector<1000x16xf32>
    %add3A_139 = arith.addf %mul3A_138, %select_n3A_132 : vector<1000x16xf32>
    %swap3A_140 = arith.constant 0 : index
    %swap3A_141 = arith.constant 0 : index
    %swap3A_142 = vector.load %arg26[%swap3A_140, %swap3A_141] : memref<1000x16xf32, #tpu.memory_space<vmem>>, vector<1000x16xf32>
    tpu.vector_store %arg26[%swap3A_140, %swap3A_141], %add3A_139 {strides = array<i32>} : memref<1000x16xf32, #tpu.memory_space<vmem>>, vector<1000x16xf32>,
    %get3A_143 = arith.constant 0 : index
    %get3A_144 = arith.constant 0 : index
    %get3A_145 = vector.load %arg2[%get3A_143, %get3A_144] : memref<1000x128xf32, #tpu.memory_space<vmem>>, vector<1000x128xf32>
    %get3A_146 = arith.constant 0 : index
    %get3A_147 = arith.constant 0 : index
    %get3A_148 = vector.load %arg6[%get3A_146, %get3A_147] : memref<1000x128xf32, #tpu.memory_space<vmem>>, vector<1000x128xf32>
    %add3A_149 = arith.addf %get3A_145, %get3A_148 : vector<1000x128xf32>
    %get3A_150 = arith.constant 0 : index
    %get3A_151 = arith.constant 0 : index
    %get3A_152 = vector.load %arg15[%get3A_150, %get3A_151] : memref<16x128xf32, #tpu.memory_space<vmem>>, vector<16x128xf32>
    %slice3A_153 = vector.extract_strided_slice %get3A_152 {offsets = [0, 0], sizes = [1, 128], strides = [1, 1]} : vector<16x128xf32> to vector<1x128xf32>
    %mul3A_154 = vector.broadcast %atan23A : vector<1000x1xf32> to vector<1000x128xf32>
    %mul3A_155 = vector.broadcast %slice3A_153 : vector<1x128xf32> to vector<1000x128xf32>
    %mul3A_156 = arith.mulf %mul3A_154, %mul3A_155 : vector<1000x128xf32>
    %slice3A_157 = vector.extract_strided_slice %get3A_152 {offsets = [1, 0], sizes = [6, 128], strides = [1, 1]} : vector<16x128xf32> to vector<6x128xf32>
    %dot_general3A_158 = arith.constant dense<0.000000e+00> : vector<1000x128xf32>
    %dot_general3A_159 = tpu.matmul %sin3A, %slice3A_157, %dot_general3A_158 {dimension_numbers = #tpu.dot_dimension_numbers<[1], [0], [0], [1], [0, 0, 1, 1], [], []>, transpose_lhs_hint = false} : vector<1000x6xf32>, vector<6x128xf32>, vector<1000x128xf32> -> vector<1000x128xf32>
    %add3A_160 = arith.addf %mul3A_156, %dot_general3A_159 : vector<1000x128xf32>
    %slice3A_161 = vector.extract_strided_slice %get3A_152 {offsets = [7, 0], sizes = [6, 128], strides = [1, 1]} : vector<16x128xf32> to vector<6x128xf32>
    %dot_general3A_162 = arith.constant dense<0.000000e+00> : vector<1000x128xf32>
    %dot_general3A_163 = tpu.matmul %cos3A, %slice3A_161, %dot_general3A_162 {dimension_numbers = #tpu.dot_dimension_numbers<[1], [0], [0], [1], [0, 0, 1, 1], [], []>, transpose_lhs_hint = false} : vector<1000x6xf32>, vector<6x128xf32>, vector<1000x128xf32> -> vector<1000x128xf32>
    %add3A_164 = arith.addf %add3A_160, %dot_general3A_163 : vector<1000x128xf32>
    %add3A_165 = arith.addf %add3A_149, %add3A_164 : vector<1000x128xf32>
    %get3A_166 = arith.constant 0 : index
    %get3A_167 = arith.constant 0 : index
    %get3A_168 = vector.load %arg16[%get3A_166, %get3A_167] : memref<1x128xf32, #tpu.memory_space<vmem>>, vector<1x128xf32>
    %get3A_169 = arith.constant 0 : index
    %get3A_170 = arith.constant 0 : index
    %get3A_171 = vector.load %arg17[%get3A_169, %get3A_170] : memref<1x128xf32, #tpu.memory_space<vmem>>, vector<1x128xf32>
    %reduce_sum3A_172 = arith.constant dense<0.000000e+00> : vector<1000xf32>
    %reduce_sum3A_173 = vector.multi_reduction <add>, %add3A_165, %reduce_sum3A_172 [1] : vector<1000x128xf32> to vector<1000xf32>
    %broadcast_in_dim3A_174 = vector.shape_cast %reduce_sum3A_173 : vector<1000xf32> to vector<1000x1xf32>
    %div3A_175 = arith.constant 1.280000e+02 : f32
    %div3A_176 = vector.broadcast %div3A_175 : f32 to vector<1000x1xf32>
    %div3A_177 = arith.divf %broadcast_in_dim3A_174, %div3A_176 : vector<1000x1xf32>
    %sub3A_178 = vector.broadcast %div3A_177 : vector<1000x1xf32> to vector<1000x128xf32>
    %sub3A_179 = arith.subf %add3A_165, %sub3A_178 : vector<1000x128xf32>
    %integer_pow3A_180 = arith.mulf %sub3A_179, %sub3A_179 : vector<1000x128xf32>
    %reduce_sum3A_181 = arith.constant dense<0.000000e+00> : vector<1000xf32>
    %reduce_sum3A_182 = vector.multi_reduction <add>, %integer_pow3A_180, %reduce_sum3A_181 [1] : vector<1000x128xf32> to vector<1000xf32>
    %broadcast_in_dim3A_183 = vector.shape_cast %reduce_sum3A_182 : vector<1000xf32> to vector<1000x1xf32>
    %div3A_184 = arith.constant 1.280000e+02 : f32
    %div3A_185 = vector.broadcast %div3A_184 : f32 to vector<1000x1xf32>
    %div3A_186 = arith.divf %broadcast_in_dim3A_183, %div3A_185 : vector<1000x1xf32>
    %sub3A_187 = vector.broadcast %div3A_177 : vector<1000x1xf32> to vector<1000x128xf32>
    %sub3A_188 = arith.subf %add3A_165, %sub3A_187 : vector<1000x128xf32>
    %add3A_189 = arith.constant 9.99999974E-6 : f32
    %add3A_190 = vector.broadcast %add3A_189 : f32 to vector<1000x1xf32>
    %add3A_191 = arith.addf %div3A_186, %add3A_190 : vector<1000x1xf32>
    %rsqrt3A_192 = math.rsqrt %add3A_191 : vector<1000x1xf32>
    %mul3A_193 = vector.broadcast %rsqrt3A_192 : vector<1000x1xf32> to vector<1000x128xf32>
    %mul3A_194 = arith.mulf %sub3A_188, %mul3A_193 : vector<1000x128xf32>
    %mul3A_195 = vector.broadcast %get3A_168 : vector<1x128xf32> to vector<1000x128xf32>
    %mul3A_196 = arith.mulf %mul3A_194, %mul3A_195 : vector<1000x128xf32>
    %add3A_197 = vector.broadcast %get3A_171 : vector<1x128xf32> to vector<1000x128xf32>
    %add3A_198 = arith.addf %mul3A_196, %add3A_197 : vector<1000x128xf32>
    %max3A_199 = arith.constant 0.000000e+00 : f32
    %max3A_200 = vector.broadcast %max3A_199 : f32 to vector<1000x128xf32>
    %max3A_201 = arith.maximumf %add3A_198, %max3A_200 : vector<1000x128xf32>
    %get3A_202 = arith.constant 0 : index
    %get3A_203 = arith.constant 0 : index
    %get3A_204 = vector.load %arg18[%get3A_202, %get3A_203] : memref<128x128xf32, #tpu.memory_space<vmem>>, vector<128x128xf32>
    %dot_general3A_205 = arith.constant dense<0.000000e+00> : vector<1000x128xf32>
    %dot_general3A_206 = tpu.matmul %max3A_201, %get3A_204, %dot_general3A_205 {dimension_numbers = #tpu.dot_dimension_numbers<[1], [0], [0], [1], [0, 0, 1, 1], [], []>, transpose_lhs_hint = false} : vector<1000x128xf32>, vector<128x128xf32>, vector<1000x128xf32> -> vector<1000x128xf32>
    %get3A_207 = arith.constant 0 : index
    %get3A_208 = arith.constant 0 : index
    %get3A_209 = vector.load %arg19[%get3A_207, %get3A_208] : memref<1x128xf32, #tpu.memory_space<vmem>>, vector<1x128xf32>
    %add3A_210 = vector.broadcast %get3A_209 : vector<1x128xf32> to vector<1000x128xf32>
    %add3A_211 = arith.addf %dot_general3A_206, %add3A_210 : vector<1000x128xf32>
    %get3A_212 = arith.constant 0 : index
    %get3A_213 = arith.constant 0 : index
    %get3A_214 = vector.load %arg21[%get3A_212, %get3A_213] : memref<16x128xf32, #tpu.memory_space<vmem>>, vector<16x128xf32>
    %dot_general3A_215 = arith.constant dense<0.000000e+00> : vector<1000x128xf32>
    %dot_general3A_216 = tpu.matmul %select_n3A_125, %get3A_214, %dot_general3A_215 {dimension_numbers = #tpu.dot_dimension_numbers<[1], [0], [0], [1], [0, 0, 1, 1], [], []>, transpose_lhs_hint = false} : vector<1000x16xf32>, vector<16x128xf32>, vector<1000x128xf32> -> vector<1000x128xf32>
    %dot_general3A_217 = arith.constant dense<0.000000e+00> : vector<1000x128xf32>
    %dot_general3A_218 = tpu.matmul %select_n3A_132, %get3A_214, %dot_general3A_217 {dimension_numbers = #tpu.dot_dimension_numbers<[1], [0], [0], [1], [0, 0, 1, 1], [], []>, transpose_lhs_hint = false} : vector<1000x16xf32>, vector<16x128xf32>, vector<1000x128xf32> -> vector<1000x128xf32>
    %get3A_219 = arith.constant 0 : index
    %get3A_220 = arith.constant 0 : index
    %get3A_221 = vector.load %arg24[%get3A_219, %get3A_220] : memref<1000x128xf32, #tpu.memory_space<vmem>>, vector<1000x128xf32>
    %mul3A_222 = arith.mulf %get3A_221, %dot_general3A_216 : vector<1000x128xf32>
    %mul3A_223 = arith.mulf %dot_general3A_218, %add3A_211 : vector<1000x128xf32>
    %add3A_224 = arith.addf %mul3A_222, %mul3A_223 : vector<1000x128xf32>
    %swap3A_225 = arith.constant 0 : index
    %swap3A_226 = arith.constant 0 : index
    %swap3A_227 = vector.load %arg27[%swap3A_225, %swap3A_226] : memref<1000x128xf32, #tpu.memory_space<vmem>>, vector<1000x128xf32>
    tpu.vector_store %arg27[%swap3A_225, %swap3A_226], %add3A_224 {strides = array<i32>} : memref<1000x128xf32, #tpu.memory_space<vmem>>, vector<1000x128xf32>,
    return
  }
  func.func @transform_0(%arg0: i32) -> (i32, i32) {
    %c0_i32 = arith.constant 0 : i32
    %c0_i32_0 = arith.constant 0 : i32
    return %arg0, %c0_i32 : i32, i32
  }
  func.func @transform_1(%arg0: i32) -> (i32, i32) {
    %c0_i32 = arith.constant 0 : i32
    %c0_i32_0 = arith.constant 0 : i32
    return %arg0, %c0_i32 : i32, i32
  }
  func.func @transform_2(%arg0: i32) -> (i32, i32) {
    %c0_i32 = arith.constant 0 : i32
    %c0_i32_0 = arith.constant 0 : i32
    return %arg0, %c0_i32 : i32, i32
  }
  func.func @transform_3(%arg0: i32) -> (i32, i32) {
    %c0_i32 = arith.constant 0 : i32
    %c0_i32_0 = arith.constant 0 : i32
    return %arg0, %c0_i32 : i32, i32
  }
  func.func @transform_4(%arg0: i32) -> (i32, i32) {
    %c0_i32 = arith.constant 0 : i32
    %c0_i32_0 = arith.constant 0 : i32
    return %arg0, %c0_i32 : i32, i32
  }
  func.func @transform_5(%arg0: i32) -> (i32, i32) {
    %c0_i32 = arith.constant 0 : i32
    %c0_i32_0 = arith.constant 0 : i32
    return %arg0, %c0_i32 : i32, i32
  }
  func.func @transform_6(%arg0: i32) -> (i32, i32) {
    %c0_i32 = arith.constant 0 : i32
    %c0_i32_0 = arith.constant 0 : i32
    return %arg0, %c0_i32 : i32, i32
  }
  func.func @transform_7(%arg0: i32) -> (i32, i32) {
    %c0_i32 = arith.constant 0 : i32
    %c0_i32_0 = arith.constant 0 : i32
    return %arg0, %c0_i32 : i32, i32
  }
  func.func @transform_8(%arg0: i32) -> (i32, i32) {
    %c0_i32 = arith.constant 0 : i32
    %c0_i32_0 = arith.constant 0 : i32
    return %arg0, %c0_i32 : i32, i32
  }
  func.func @transform_9(%arg0: i32) -> (i32, i32) {
    %c0_i32 = arith.constant 0 : i32
    %c0_i32_0 = arith.constant 0 : i32
    %c0_i32_1 = arith.constant 0 : i32
    return %c0_i32, %c0_i32_0 : i32, i32
  }
  func.func @transform_10(%arg0: i32) -> (i32, i32) {
    %c0_i32 = arith.constant 0 : i32
    %c0_i32_0 = arith.constant 0 : i32
    %c0_i32_1 = arith.constant 0 : i32
    return %c0_i32, %c0_i32_0 : i32, i32
  }
  func.func @transform_11(%arg0: i32) -> (i32, i32) {
    %c0_i32 = arith.constant 0 : i32
    %c0_i32_0 = arith.constant 0 : i32
    %c0_i32_1 = arith.constant 0 : i32
    return %c0_i32, %c0_i32_0 : i32, i32
  }
  func.func @transform_12(%arg0: i32) -> (i32, i32) {
    %c0_i32 = arith.constant 0 : i32
    %c0_i32_0 = arith.constant 0 : i32
    %c0_i32_1 = arith.constant 0 : i32
    return %c0_i32, %c0_i32_0 : i32, i32
  }
  func.func @transform_13(%arg0: i32) -> (i32, i32) {
    %c0_i32 = arith.constant 0 : i32
    %c0_i32_0 = arith.constant 0 : i32
    %c0_i32_1 = arith.constant 0 : i32
    return %c0_i32, %c0_i32_0 : i32, i32
  }
  func.func @transform_14(%arg0: i32) -> (i32, i32) {
    %c0_i32 = arith.constant 0 : i32
    %c0_i32_0 = arith.constant 0 : i32
    %c0_i32_1 = arith.constant 0 : i32
    return %c0_i32, %c0_i32_0 : i32, i32
  }
  func.func @transform_15(%arg0: i32) -> (i32, i32) {
    %c0_i32 = arith.constant 0 : i32
    %c0_i32_0 = arith.constant 0 : i32
    %c0_i32_1 = arith.constant 0 : i32
    return %c0_i32, %c0_i32_0 : i32, i32
  }
  func.func @transform_16(%arg0: i32) -> (i32, i32) {
    %c0_i32 = arith.constant 0 : i32
    %c0_i32_0 = arith.constant 0 : i32
    %c0_i32_1 = arith.constant 0 : i32
    return %c0_i32, %c0_i32_0 : i32, i32
  }
  func.func @transform_17(%arg0: i32) -> (i32, i32) {
    %c0_i32 = arith.constant 0 : i32
    %c0_i32_0 = arith.constant 0 : i32
    %c0_i32_1 = arith.constant 0 : i32
    return %c0_i32, %c0_i32_0 : i32, i32
  }
  func.func @transform_18(%arg0: i32) -> (i32, i32) {
    %c0_i32 = arith.constant 0 : i32
    %c0_i32_0 = arith.constant 0 : i32
    %c0_i32_1 = arith.constant 0 : i32
    return %c0_i32, %c0_i32_0 : i32, i32
  }
  func.func @transform_19(%arg0: i32) -> (i32, i32) {
    %c0_i32 = arith.constant 0 : i32
    %c0_i32_0 = arith.constant 0 : i32
    %c0_i32_1 = arith.constant 0 : i32
    return %c0_i32, %c0_i32_0 : i32, i32
  }
  func.func @transform_20(%arg0: i32) -> (i32, i32) {
    %c0_i32 = arith.constant 0 : i32
    %c0_i32_0 = arith.constant 0 : i32
    %c0_i32_1 = arith.constant 0 : i32
    return %c0_i32, %c0_i32_0 : i32, i32
  }
  func.func @transform_21(%arg0: i32) -> (i32, i32) {
    %c0_i32 = arith.constant 0 : i32
    %c0_i32_0 = arith.constant 0 : i32
    return %arg0, %c0_i32 : i32, i32
  }
  func.func @transform_22(%arg0: i32) -> (i32, i32) {
    %c0_i32 = arith.constant 0 : i32
    %c0_i32_0 = arith.constant 0 : i32
    return %arg0, %c0_i32 : i32, i32
  }
  func.func @transform_23(%arg0: i32) -> (i32, i32) {
    %c0_i32 = arith.constant 0 : i32
    %c0_i32_0 = arith.constant 0 : i32
    return %arg0, %c0_i32 : i32, i32
  }
  func.func @transform_24(%arg0: i32) -> (i32, i32) {
    %c0_i32 = arith.constant 0 : i32
    %c0_i32_0 = arith.constant 0 : i32
    return %arg0, %c0_i32 : i32, i32
  }
  func.func @transform_25(%arg0: i32) -> (i32, i32) {
    %c0_i32 = arith.constant 0 : i32
    %c0_i32_0 = arith.constant 0 : i32
    return %arg0, %c0_i32 : i32, i32
  }
  func.func @transform_26(%arg0: i32) -> (i32, i32) {
    %c0_i32 = arith.constant 0 : i32
    %c0_i32_0 = arith.constant 0 : i32
    return %arg0, %c0_i32 : i32, i32
  }
}

module attributes {stable_mosaic.version = 14 : i64} {
  func.func @_finalize_kernel(%arg0: i32, %arg1: memref<1000x128xf32, #tpu.memory_space<vmem>>, %arg2: memref<1000x16xf32, #tpu.memory_space<vmem>>, %arg3: memref<16x128xf32, #tpu.memory_space<vmem>>, %arg4: memref<1000x128xf32, #tpu.memory_space<vmem>>) attributes {dimension_semantics = [#tpu.dimension_semantics<arbitrary>], iteration_bounds = array<i64: 80>, scalar_prefetch = 0 : i64, scratch_operands = 0 : i64, tpu.core_type = #tpu.core_type<tc>, window_params = [{transform_indices = @transform_0, window_bounds = array<i64: 1000, 128>}, {transform_indices = @transform_1, window_bounds = array<i64: 1000, 16>}, {pipeline_mode = #tpu.pipeline_mode<synchronous>, transform_indices = @transform_2, window_bounds = array<i64: 16, 128>}, {transform_indices = @transform_3, window_bounds = array<i64: 1000, 128>}]} {
    %get3A = arith.constant 0 : index
    %get3A_0 = arith.constant 0 : index
    %get3A_1 = vector.load %arg2[%get3A, %get3A_0] : memref<1000x16xf32, #tpu.memory_space<vmem>>, vector<1000x16xf32>
    %get3A_2 = arith.constant 0 : index
    %get3A_3 = arith.constant 0 : index
    %get3A_4 = vector.load %arg3[%get3A_2, %get3A_3] : memref<16x128xf32, #tpu.memory_space<vmem>>, vector<16x128xf32>
    %dot_general3A = arith.constant dense<0.000000e+00> : vector<1000x128xf32>
    %dot_general3A_5 = tpu.matmul %get3A_1, %get3A_4, %dot_general3A {dimension_numbers = #tpu.dot_dimension_numbers<[1], [0], [0], [1], [0, 0, 1, 1], [], []>, transpose_lhs_hint = false} : vector<1000x16xf32>, vector<16x128xf32>, vector<1000x128xf32> -> vector<1000x128xf32>
    %gt3A = arith.constant 0.000000e+00 : f32
    %gt3A_6 = vector.broadcast %gt3A : f32 to vector<1000x128xf32>
    %gt3A_7 = arith.cmpf ogt, %dot_general3A_5, %gt3A_6 : vector<1000x128xf32>
    %get3A_8 = arith.constant 0 : index
    %get3A_9 = arith.constant 0 : index
    %get3A_10 = vector.load %arg1[%get3A_8, %get3A_9] : memref<1000x128xf32, #tpu.memory_space<vmem>>, vector<1000x128xf32>
    %div3A = arith.divf %get3A_10, %dot_general3A_5 : vector<1000x128xf32>
    %jit3A = arith.constant 0.000000e+00 : f32
    %broadcast_in_dim3A = vector.broadcast %jit3A : f32 to vector<1000x128xf32>
    %select_n3A = arith.select %gt3A_7, %div3A, %broadcast_in_dim3A : vector<1000x128xi1>, vector<1000x128xf32>
    %swap3A = arith.constant 0 : index
    %swap3A_11 = arith.constant 0 : index
    %swap3A_12 = vector.load %arg4[%swap3A, %swap3A_11] : memref<1000x128xf32, #tpu.memory_space<vmem>>, vector<1000x128xf32>
    tpu.vector_store %arg4[%swap3A, %swap3A_11], %select_n3A {strides = array<i32>} : memref<1000x128xf32, #tpu.memory_space<vmem>>, vector<1000x128xf32>,
    return
  }
  func.func @transform_0(%arg0: i32) -> (i32, i32) {
    %c0_i32 = arith.constant 0 : i32
    %c0_i32_0 = arith.constant 0 : i32
    return %arg0, %c0_i32 : i32, i32
  }
  func.func @transform_1(%arg0: i32) -> (i32, i32) {
    %c0_i32 = arith.constant 0 : i32
    %c0_i32_0 = arith.constant 0 : i32
    return %arg0, %c0_i32 : i32, i32
  }
  func.func @transform_2(%arg0: i32) -> (i32, i32) {
    %c0_i32 = arith.constant 0 : i32
    %c0_i32_0 = arith.constant 0 : i32
    %c0_i32_1 = arith.constant 0 : i32
    return %c0_i32, %c0_i32_0 : i32, i32
  }
  func.func @transform_3(%arg0: i32) -> (i32, i32) {
    %c0_i32 = arith.constant 0 : i32
    %c0_i32_0 = arith.constant 0 : i32
    return %arg0, %c0_i32 : i32, i32
  }
}

</mosaic_0001>

<sc_bundles>
// kernel: gather_offload_async_start.1
scs
__scs_entry_jumppad:
0x0: {  	(pc) =	sbr.rel $0x88, $3  }
0x1: {  	(tag) =	ssettag $0x0;
	lr =	simm.s32 $0x1  }
0x2: {  	[smem:$0x3F8D] =	sst lr;
	_ =	strace $0xD0000000  }
0x3: {  	_ = 	snop  }
0x4: {  	_ = 	snop  }
0x5: {  	_ = 	snop  }
0x6: {  	_ = 	snop  }
0x7: {  	_ = 	snop  }
__scs_overlays_trampoline_lowered:
0x8: {  	[smem:$0x3F9C] =	sst s0  }
0x9: {  	[smem:$0x3F9D] =	sst s1  }
0xa: {  	[smem:$0x3F9E] =	sst s2  }
0xb: {  	[smem:$0x3F9F] =	sst s3  }
0xc: {  	[smem:$0x3FA0] =	sst s4  }
0xd: {  	[smem:$0x3FA1] =	sst s5  }
0xe: {  	[smem:$0x3FA2] =	sst s6  }
0xf: {  	[smem:$0x3FA3] =	sst s7  }
0x10: {  	[smem:$0x3FA4] =	sst s8  }
0x11: {  	[smem:$0x3FA5] =	sst s9;
	s0 =	simm.s32 @!p0 $0x0  }
0x12: {  	s1 =	sld [smem:$0x3F8B];
	s0 =	simm.s32 @p0 $0x1  }
0x13: {  	[smem:$0x3FA6] =	sst s0;
	s0 =	simm.s32 @!p1 $0x0  }
0x14: {  	s2 =	sld [smem:$0x3F8A];
	s0 =	simm.s32 @p1 $0x1  }
0x15: {  	[smem:$0x3FA7] =	sst s0;
	s0 =	simm.s32 @!p2 $0x0  }
0x16: {  	s3 =	sld [smem:$0x3FDB];
	s0 =	simm.s32 @p2 $0x1  }
0x17: {  	s4 =	simm.s32 $0x1BF5;
	[smem:$0x3FA9] =	sst s0  }
0x18: {  	s0 =	sld [smem:$0x3F8C];
	_ =	swait.ge [sflag:s4], $0x0  }
0x19: {  	s7 =	sld [smem:$0x3F8D]  }
0x1a: {  	s8 =	sadd.s32 $0xFFFFE003, lr  }
0x1b: {  	s9 =	sadd.s32 $0xFFFFFEF7, lr;
	s5 =	simm.s32 $0xFFFFFFFF;
	p2 =	slt.u32 s8, $0xFFFFF086  }
0x1c: {  	p1 =	slt.u32 s9, $0xF7A;
	s5 =	simm.s32 @!p2 $0x0  }
0x1d: {  	s5 =	simm.s32 @p1 $0x1;
	p0 =	seq.s32 s7, s2  }
0x1e: {  	s7 =	smul.u32 @!p0 $0xF7A, s2;
	p2 =	seq.s32 @!p0 s5, $0x0  }
0x1f: {  	s9 =	smul.u32 $0xF7A, s1;
	s8 =	simm.s32 @!p0 $0x1BF5;
	p2 =	por !p2, p0  }
0x20: {  	[sflag:s8] =	ssyncset.s32 @!p0 $0xFFFFF086;
	s6 =	sadd.s32 @!p0 s3, s7;
	s7 =	simm.s32 @!p0 $0x108  }
0x21: {  	s3 =	sadd.s32 s3, s9;
	s6 =	sadd.s32 @!p0 $0x88, s6;
	s7 =	simm.s32 @p2 $0x1082  }
0x22: {  	[simem:s7], [sflag:s8] =	dma.local @!p0 [hbm:s6], $0xF7A  }
0x23: {  	s9 =	sor.u32 $0xD0000000, s2;
	s6 =	simm.s32 $0x108;
	_ =	swait.ge @!p0 [sflag:s8], $0x0  }
0x24: {  	s3 =	sadd.s32 $0x88, s3;
	s6 =	simm.s32 @!p1 $0x1082;
	[sflag:s4] =	ssyncset.s32 $0xFFFFF086  }
0x25: {  	[simem:s6], [sflag:s4] =	dma.local [hbm:s3], $0xF7A  }
0x26: {  	[smem:$0x3F8D] =	sst s1;
	(tag) =	ssettag s2;
	_ =	strace s9  }
0x27: {  	s1 =	sld [smem:$0x3F9D]  }
0x28: {  	s2 =	sld [smem:$0x3F9E]  }
0x29: {  	s4 =	sld [smem:$0x3FA0]  }
0x2a: {  	p0 =	seq.s32 s5, $0x0;
	s5 =	sld [smem:$0x3FA1]  }
0x2b: {  	s6 =	sld [smem:$0x3FA2]  }
0x2c: {  	s7 =	sld [smem:$0x3FA3]  }
0x2d: {  	s3 =	simm.s32 $0x108;
	s8 =	sld [smem:$0x3FA4]  }
0x2e: {  	s3 =	simm.s32 @!p0 $0x1082;
	s9 =	sld [smem:$0x3FA5]  }
0x2f: {  	lr =	sadd.s32 s0, s3;
	s0 =	sld [smem:$0x3F9C]  }
0x30: {  	s3 =	sld [smem:$0x3F9F]  }
0x31: {  	[smem:$0x3FA8] =	sst s10  }
0x32: {  	s10 =	sld [smem:$0x3FA6];
	_ =	sdelay $0x3  }
0x33: {  	p0 =	seq.s32 s10, $0x1;
	s10 =	sld [smem:$0x3FA8];
	_ =	sdelay $0x3  }
0x34: {  	[smem:$0x3FA8] =	sst s10  }
0x35: {  	s10 =	sld [smem:$0x3FA7];
	_ =	sdelay $0x3  }
0x36: {  	p1 =	seq.s32 s10, $0x1;
	s10 =	sld [smem:$0x3FA8];
	_ =	sdelay $0x3  }
0x37: {  	[smem:$0x3FA8] =	sst s10  }
0x38: {  	s10 =	sld [smem:$0x3FA9]  }
0x39: {  	_ = 	snop;
	(pc) =	sbr.ind lr, $3  }
0x3a: {  	_ = 	snop  }
0x3b: {  	_ = 	snop  }
0x3c: {  	p2 =	seq.s32 s10, $0x1;
	s10 =	sld [smem:$0x3FA8]  }
0x3d: {  	_ =	shalt  }
0x3e: {  	_ =	shalt  }
0x3f: {  	_ =	shalt  }
0x40: {  	_ =	shalt  }
0x41: {  	_ =	shalt  }
0x42: {  	_ =	shalt  }
0x43: {  	_ =	shalt  }
0x44: {  	_ =	shalt  }
0x45: {  	_ =	shalt  }
0x46: {  	_ =	shalt  }
0x47: {  	_ =	shalt  }
0x48: {  	_ =	shalt  }
0x49: {  	_ =	shalt  }
0x4a: {  	_ =	shalt  }
0x4b: {  	_ =	shalt  }
0x4c: {  	_ =	shalt  }
0x4d: {  	_ =	shalt  }
0x4e: {  	_ =	shalt  }
0x4f: {  	_ =	shalt  }
0x50: {  	_ =	shalt  }
0x51: {  	_ =	shalt  }
0x52: {  	_ =	shalt  }
0x53: {  	_ =	shalt  }
0x54: {  	_ =	shalt  }
0x55: {  	_ =	shalt  }
0x56: {  	_ =	shalt  }
0x57: {  	_ =	shalt  }
0x58: {  	_ =	shalt  }
0x59: {  	_ =	shalt  }
0x5a: {  	_ =	shalt  }
0x5b: {  	_ =	shalt  }
0x5c: {  	_ =	shalt  }
0x5d: {  	_ =	shalt  }
0x5e: {  	_ =	shalt  }
0x5f: {  	_ =	shalt  }
0x60: {  	_ =	shalt  }
0x61: {  	_ =	shalt  }
0x62: {  	_ =	shalt  }
0x63: {  	_ =	shalt  }
0x64: {  	_ =	shalt  }
0x65: {  	_ =	shalt  }
0x66: {  	_ =	shalt  }
0x67: {  	_ =	shalt  }
0x68: {  	_ =	shalt  }
0x69: {  	_ =	shalt  }
0x6a: {  	_ =	shalt  }
0x6b: {  	_ =	shalt  }
0x6c: {  	_ =	shalt  }
0x6d: {  	_ =	shalt  }
0x6e: {  	_ =	shalt  }
0x6f: {  	_ =	shalt  }
0x70: {  	_ =	shalt  }
0x71: {  	_ =	shalt  }
0x72: {  	_ =	shalt  }
0x73: {  	_ =	shalt  }
0x74: {  	_ =	shalt  }
0x75: {  	_ =	shalt  }
0x76: {  	_ =	shalt  }
0x77: {  	_ =	shalt  }
0x78: {  	_ =	shalt  }
0x79: {  	_ =	shalt  }
0x7a: {  	_ =	shalt  }
0x7b: {  	_ =	shalt  }
0x7c: {  	_ =	shalt  }
0x7d: {  	_ =	shalt  }
0x7e: {  	_ =	shalt  }
0x7f: {  	_ =	shalt  }
0x80: {  	_ =	shalt  }
0x81: {  	_ =	shalt  }
0x82: {  	_ =	shalt  }
0x83: {  	_ =	shalt  }
0x84: {  	_ =	shalt  }
0x85: {  	_ =	shalt  }
0x86: {  	_ =	shalt  }
0x87: {  	_ =	shalt  }
.Lfunc_end0:
.L_simem_size_0:
called_computation.2_lowered:
.L_overlay_start_0:
0x88: {  	s2 =	sld [smem:$0x3FD9]  }
0x89: {  	s3 =	sld [smem:$0x3FFE];
	_ =	sdelay $0x1  }
0x8a: {  	s1 =	srdreg.scid  }
0x8b: {  	s0 =	sand.u32 $0x1, s1  }
0x8c: {  	s17 =	sshll.u32 s0, $0xA;
	s2 =	sadd.s32 s3, s2  }
0x8d: {  	s2 =	sadd.s32 s2, s17  }
0x8e: {  	[smem:$0x3FB4] =	sst s2  }
0x8f: {  	_ = 	snop  }
0x90: {  	(tm) =	ssettm $0x1  }
0x91: {  	s18 =	sld [smem:$0x3FFB];
	_ =	sdelay $0x3  }
0x92: {  	_ =	strace s18  }
0x93: {  	s2 =	sld [smem:$0x3FFC];
	_ =	sdelay $0x3  }
0x94: {  	_ =	strace s2  }
0x95: {  	s2 =	sld [smem:$0x3FFD];
	_ =	sdelay $0x3  }
0x96: {  	_ =	strace s2  }
0x97: {  	_ =	strace $0x8FFFFFFF  }
0x98: {  	s19 =	sld [smem:$0x3FDB];
	_ =	sdelay $0x1  }
0x99: {  	s20 =	simm.s32 $_scs_section_size  }
0x9a: {  	s4 =	simm.s32 $_size__tile_overlayer_lowered;
	s5 =	simm.s32 $_tile_overlayer_lowered  }
0x9b: {  	s6 =	simm.s32 $0x1BFF;
	s21 =	sshll.u32 s5, $0x1;
	s3 =	sadd.s32 s20, s19  }
0x9c: {  	s22 =	simm.s32 $0x0;
	s4 =	sshll.u32 s4, $0x1;
	s5 =	sadd.s32 s21, s3  }
0x9d: {  	[timem:s22], [sflag:s6] =	dma.local [hbm:s5], s4  }
0x9e: {  	_ =	swait.ge [sflag:s6], s4  }
0x9f: {  	s4 =	ssub.s32 $0x0, s4;
	[sflag:s6] =	ssyncset.done $0x0  }
0xa0: {  	[sflag:s6] =	ssyncadd.s32 s4;
	_ =	sdelay $0x1  }
0xa1: {  	s23 =	simm.s32 $0x1B8B  }
0xa2: {  	_ =	swait.ge [sflag:s23], $0x1  }
0xa3: {  	[sflag:s23] =	ssyncset.done $0x0  }
0xa4: {  	[sflag:s23] =	ssyncadd.s32 $0xFFFFFFFF  }
0xa5: {  	s4 =	sld [smem:$0x0]  }
0xa6: {  	s5 =	sand.u32 $0xFFFFFFFE, s1  }
0xa7: {  	p0 =	sne.s32 s1, s5  }
0xa8: {  	s5 =	sshll.u32 @p0 s5, $0xE  }
0xa9: {  	s5 =	sadd.s32 @p0 $0x11B8D, s5;
	s6 =	sshll.u32 @p0 s4, $0x11  }
0xaa: {  	s5 =	sor.u32 @p0 s6, s5  }
0xab: {  	[sflag:s5] =	ssyncadd.remote.s32 @p0 $0x1;
	_ =	sdelay $0x1  }
0xac: {  	s5 =	simm.s32 @p0 $0x1B8D  }
0xad: {  	_ =	swait.eq @p0 [sflag:s5], $0x1  }
0xae: {  	[sflag:s5] =	ssyncadd.s32 @p0 $0xFFFFFFFF  }
0xaf: {  	s6 =	sshll.u32 @!p0 s1, $0xE  }
0xb0: {  	s6 =	sor.u32 @!p0 $0x4000, s6;
	s5 =	simm.s32 @!p0 $0x1B8D  }
0xb1: {  	s4 =	sshll.u32 @!p0 s4, $0x11;
	s6 =	sadd.s32 @!p0 $0x11B8D, s6;
	_ =	swait.eq @!p0 [sflag:s5], $0x1  }
0xb2: {  	s4 =	sor.u32 @!p0 s4, s6;
	[sflag:s5] =	ssyncadd.s32 @!p0 $0xFFFFFFFF  }
0xb3: {  	s25 =	simm.s32 $0x1B8E;
	s24 =	sld [smem:$0x3FFE];
	[sflag:s4] =	ssyncadd.remote.s32 @!p0 $0x1  }
0xb4: {  	s26 =	simm.s32 $execute0_lowered;
	[smem:$0x3FD2] =	sst s25  }
0xb5: {  	s5 =	sshll.u32 s26, $0x1;
	_ =	strace $0x80000055;
	[dreg:$0x1] =	wrdreg $0xFFFFFFFF  }
0xb6: {  	s28 =	simm.s32 $_size_execute0_lowered;
	s3 =	sadd.s32 s3, s5;
	[dreg:$0x0] =	wrdreg $0x0  }
0xb7: {  	s5 =	sshll.u32 s28, $0x1;
	[dreg:$0x2] =	wrdreg s3  }
0xb8: {  	[dreg:$0x3] =	wrdreg s5  }
0xb9: {  	[dreg:$0x4] =	wrdreg $0xC0  }
0xba: {  	_ =	task [dreg:s22], $0x5FFFF  }
0xbb: {  	[dreg:$0x1] =	wrdreg $0xFFFFFFFF  }
0xbc: {  	[dreg:$0x0] =	wrdreg $0x60  }
0xbd: {  	[dreg:$0x2] =	wrdreg s24  }
0xbe: {  	[dreg:$0x3] =	wrdreg $0x9  }
0xbf: {  	_ =	task.clear_ibuf [dreg:s22], $0x4FFFF;
	_ =	strace $0x90000055  }
0xc0: {  	s29 =	simm.s32 $0x9;
	_ =	strace $0x80000057  }
0xc1: {  	_ =	swait.ge [sflag:s29], $0x1  }
0xc2: {  	[sflag:s29] =	ssyncadd.s32 $0xFFFFFFFF  }
0xc3: {  	_ =	strace $0x90000057  }
0xc4: {  	_ =	sfence  }
0xc5: {  	s30 =	sld [smem:$0x0];
	_ =	sdelay $0x2  }
0xc6: {  	s31 =	sshll.u32 s1, $0xD;
	s1 =	sshrl.u32 s1, $0x2  }
0xc7: {  	s4 =	sand.u32 $0x4000, s31;
	s1 =	sadd.s32 s1, s30  }
0xc8: {  	s0 =	sor.u32 s4, s0;
	s1 =	sshll.u32 s1, $0x11  }
0xc9: {  	s0 =	sor.u32 s1, s0  }
0xca: {  	s0 =	sadd.s32 $0x8F2B, s0  }
0xcb: {  	[sflag:s0] =	ssyncadd.remote.s32 $0x1  }
0xcc: {  	_ =	sfence.sel $0xFFFF  }
0xcd: {  	[dreg:$0x0] =	wrdreg $0xFFFFFFFF;
	(pc) =	sbr.abs _section_cstart, $3  }
0xce: {  	[dreg:$0x1] =	wrdreg $0xFFFFFFFF  }
0xcf: {  	_ =	task.clear_ibuf [dreg:s22], $0x2FFFF;
	_ =	strace $0x9FFFFFFF  }
0xd0: {  	(tm) =	ssettm $0x7FFFFFFF  }
0xd1: {  	_ =	shalt  }
tec
execute0_lowered:
.L_overlay_start_1:
0x0: {  	(tag) =	ssettag $0x1  }
0x1: {  	s0 =	srdreg.scid  }
0x2: {  	s1 =	sshll.u32 s0, $0x4  }
0x3: {  	s0 =	stileid.u32;
	s1 =	sand.u32 $0x10, s1  }
0x4: {  	s1 =	sor.u32 s0, s1  }
0x5: {  	s2 =	smul.u32 $0x7, s1  }
0x6: {  	s3 =	smin.u32 s1, $0x1A  }
0x7: {  	s2 =	sadd.s32 s3, s2  }
0x8: {  	p0 =	slt.u32 s1, $0x1A;
	s1 =	simm.s32 $0xA00;
	s2 =	smul.u32 $0x140, s2  }
0x9: {  	s1 =	simm.s32 @!p0 $0x8C0  }
0xa: {  	s1 =	sadd.s32 s1, s2  }
0xb: {  	s3 =	smin.u32 s1, $0x13880  }
0xc: {  	s7 =	ssub.s32 s3, s2  }
0xd: {  	p0 =	sgt.s32 s7, $0x0  }
0xe: {  	s7 =	simm.s32 @!p0 $0x0  }
0xf: {  	s4 =	smulhi.u32 $0x66666667, s7  }
0x10: {  	s9 =	rddreg [dreg:$0x0];
	s6 =	simm.s32 $0x1;
	s11 =	simm.s32 $0x3  }
0x11: {  	s13 =	simm.s32 $0x0;
	s12 =	simm.s32 $0x0;
	s8 =	sshrl.u32 s4, $0x7  }
0x12: {  	s1 =	rddreg [dreg:$0x1];
	_ =	strace $0x80000056;
	s10 =	smul.u32 $0x140, s8  }
.Ltmp0:
0x13: {  	s5 =	sadd.s32 $0xAA00, s9;
	[sflag:s6] =	ssyncpa.u1 $0x0;
	(pc) =	sbr.rel .LBB2_1-.Ltmp0, $4  }
0x14: {  	s4 =	sadd.s32 $0x62F200, s9;
	p0 =	sne.s32 s7, s10;
	s10 =	simm.s32 $0x1  }
0x15: {  	s9 =	sadd.s32 $0xEBAA00, s9;
	s7 =	simm.s32 $0x2;
	s10 =	simm.s32 @!p0 $0x0  }
0x16: {  	[sflag:s7] =	ssyncpa.u1 $0x0;
	p0 =	por $0x0, $0x0;
	s8 =	sadd.s32 s10, s8  }
0x17: {  	vm0 =	vmmov $0xff;
	vm1 =	vcmask $0x3F20;
	[sflag:s11] =	ssyncpa.u1 $0x0;
	s11 =	smov.u32 s2;
	s10 =	sadd.s32 $0x1, s8  }
.LBB2_6:
0x18: {  	[hbm:s17] =	stream.linear.scatter [tilespmem:s14], [sflag:$0x3], $0x400, $0x38;
	[tilespmem:$0x14280] =	vst v63  }
.LBB2_7:
0x19: {  	s13 =	sadd.s32 $0x140, s11  }
0x1a: {  	s15 =	smov.u32 s2;
	p2 =	slt.s32 s13, s3  }
0x1b: {  	s15 =	smov.u32 @p2 s13;
	p2 =	sne.s32 s12, s10  }
.Ltmp1:
0x1c: {  	p1 =	slt.u32 s12, $0x2;
	(pc) =	sbr.rel @!p2 .LBB2_8-.Ltmp1, $4  }
0x1d: {  	s14 =	simm.s32 @!p1 $0x3  }
0x1e: {  	s16 =	sadd.s32 $0x1, s12;
	_ =	swait.ge @!p1 [sflag:s14], $0xA000  }
0x1f: {  	p0 =	por !p0, !p0;
	s13 =	smov.u32 s11;
	[sflag:s14] =	ssyncset.done @!p1 $0x0  }
0x20: {  	s12 =	smov.u32 s16;
	s11 =	smov.u32 s15;
	[sflag:s14] =	ssyncadd.s32 @!p1 $0xFFFF6000  }
.LBB2_1:
0x21: {  	p1 =	sge.u32 s12, s8  }
0x22: {  	s14 =	sxor.u32 @!p1 $0xFFFFFFFF, s12  }
0x23: {  	s14 =	sand.u32 @!p1 $0x1, s14  }
0x24: {  	s14 =	smul.u32 @!p1 $0x500, s14  }
0x25: {  	s31 =	sadd.s32 $0xFFFFFFFF, s12;
	s15 =	sshrl.u32 @!p1 s11, $0x3  }
0x26: {  	s16 =	sand.u32 @!p1 $0x7, s11;
	s15 =	sadd.s32 @!p1 s5, s15;
	s14 =	sshrl.u32 @!p1 s14, $0x2  }
0x27: {  	[tilespmem:s14], [sflag:$0x2] =	stream.linear.gather @!p1 [hbm4b:s15+s16], $0x140, $0x38;
	[tilespmem:$0x14280] =	vst v63  }
0x28: {  	p1 =	sge.u32 s31, s8  }
.Ltmp2:
0x29: {  	_ = 	snop;
	(pc) =	sbr.rel @p1 .LBB2_7-.Ltmp2, $1  }
0x2a: {  	_ =	sdelay $0x3  }
0x2b: {  	s14 =	simm.s32 $0x1  }
0x2c: {  	s14 =	simm.s32 @!p0 $0x0  }
0x2d: {  	s15 =	smul.u32 $0x500, s14  }
0x2e: {  	_ =	swait.ge [sflag:s7], $0x140  }
0x2f: {  	[sflag:s7] =	ssyncset.done $0x0;
	s16 =	sshrl.u32 s15, $0x2  }
0x30: {  	[sflag:s7] =	ssyncadd.s32 $0xFFFFFEC0;
	s15 =	sadd.s32 $0x0, s16  }
0x31: {  	v0 =	vld.msk [tilespmem:s15+$0x0 ss:$0x1], $0xffff;
	_ =	sdelay $0x4  }
0x32: {  	vm2 =	vgt.s32 v0, $0x0  }
0x33: {  	v0 =	vnsel vm2, $0x0, v0  }
0x34: {  	v0 =	vmin.u32 v0, $0x1387F  }
0x35: {  	v0 =	vshll.u32 v0, $0x4  }
0x36: {  	s14 =	smul.u32 $0x28000, s14;
	_ =	sdelay $0x1  }
0x37: {  	s14 =	sshrl.u32 s14, $0x2  }
0x38: {  	s14 =	sor.u32 $0x280, s14  }
0x39: {  	[tilespmem:s14], [sflag:$0x1] =	stream.indirect_vreg.gather [hbm:s4], $0x80, v0, vm0, $0x38;
	[tilespmem:$0x14280] =	vst v63  }
0x3a: {  	s17 =	sadd.s32 $0x10, s16;
	s15 =	sadd.s32 $0x400, s14  }
0x3b: {  	[tilespmem:s15], [sflag:$0x1] =	stream.indirect_vreg.gather [hbm:s4], $0x80, v0, vm1, $0x38;
	[tilespmem:$0x14280] =	vst v63  }
0x3c: {  	s18 =	simm.s32 $0x80;
	v0 =	vld.msk [tilespmem:s17+$0x0 ss:$0x1], $0xffff;
	s17 =	smov.u32 s14  }
.LBB2_3:
0x3d: {  	p1 =	sne.s32 s18, $0x4C0;
	_ =	sdelay $0x4  }
0x3e: {  	vm2 =	vgt.s32 v0, $0x0  }
0x3f: {  	v0 =	vnsel vm2, $0x0, v0  }
0x40: {  	v0 =	vmin.u32 v0, $0x1387F  }
0x41: {  	v0 =	vshll.u32 v0, $0x4;
	_ =	sdelay $0x3  }
.Ltmp3:
0x42: {  	s19 =	sshra.s32 s18, $0x2;
	s17 =	sadd.s32 $0x800, s17;
	(pc) =	sbr.rel @p1 .LBB2_3-.Ltmp3, $4  }
0x43: {  	[tilespmem:s17], [sflag:$0x1] =	stream.indirect_vreg.gather [hbm:s4], $0x80, v0, vm0, $0x38;
	[tilespmem:$0x14280] =	vst v63  }
0x44: {  	s19 =	sadd.s32 s19, s16;
	s20 =	sadd.s32 $0x400, s17  }
0x45: {  	[tilespmem:s20], [sflag:$0x1] =	stream.indirect_vreg.gather [hbm:s4], $0x80, v0, vm1, $0x38;
	[tilespmem:$0x14280] =	vst v63  }
0x46: {  	s18 =	sadd.s32 $0x40, s18;
	v0 =	vld.msk [tilespmem:s19+$0x0 ss:$0x1], $0xffff  }
0x47: {  	_ =	sdelay $0x3  }
0x48: {  	vm2 =	vgt.s32 v0, $0x0  }
0x49: {  	v0 =	vnsel vm2, $0x0, v0  }
0x4a: {  	v0 =	vmin.u32 v0, $0x1387F  }
0x4b: {  	v0 =	vshll.u32 v0, $0x4;
	_ =	sdelay $0x3  }
0x4c: {  	s16 =	sadd.s32 $0x800, s17  }
0x4d: {  	[tilespmem:s16], [sflag:$0x1] =	stream.indirect_vreg.gather [hbm:s4], $0x80, v0, vm0, $0x38;
	[tilespmem:$0x14280] =	vst v63  }
0x4e: {  	s16 =	sadd.s32 $0x400, s16  }
0x4f: {  	[tilespmem:s16], [sflag:$0x1] =	stream.indirect_vreg.gather [hbm:s4], $0x80, v0, vm1, $0x38;
	[tilespmem:$0x14280] =	vst v63  }
0x50: {  	s13 =	sshll.u32 s13, $0x4;
	_ =	swait.ge [sflag:s6], $0xA000  }
0x51: {  	s13 =	sadd.s32 s13, s9;
	[sflag:s6] =	ssyncset.done $0x0  }
0x52: {  	s17 =	sadd.s32 $0x0, s13;
	s16 =	simm.s32 $0x80;
	[sflag:s6] =	ssyncadd.s32 $0xFFFF6000  }
.LBB2_5:
0x53: {  	[hbm:s17] =	stream.linear.scatter [tilespmem:s14], [sflag:$0x3], $0x400, $0x38;
	[tilespmem:$0x14280] =	vst v63  }
0x54: {  	s17 =	smov.u32 s16;
	s14 =	smov.u32 s15;
	p1 =	sne.s32 s16, $0x1380  }
.Ltmp4:
0x55: {  	s16 =	sadd.s32 $0x80, s16;
	(pc) =	sbr.rel @p1 .LBB2_5-.Ltmp4, $2  }
0x56: {  	_ =	sdelay $0x2  }
0x57: {  	s15 =	sadd.s32 $0x400, s15;
	s17 =	sadd.s32 s17, s13  }
.Ltmp5:
0x58: {  	_ = 	snop;
	(pc) =	sbr.rel .LBB2_6-.Ltmp5, $1  }
0x59: {  	_ =	sdelay $0x3  }
.LBB2_8:
0x5a: {  	_ =	sfence.sel $0x180000  }
0x5b: {  	s2 =	simm.s32 $0x2;
	[bflag:$0x0] =	sbarrier.arrive $0xFFFF  }
0x5c: {  	s30 =	simm.s32 $0x3;
	[sflag:s2] =	ssyncpa.u1 $0x1  }
0x5d: {  	s31 =	simm.s32 $0x1;
	[sflag:s30] =	ssyncpa.u1 $0x1  }
0x5e: {  	[sflag:s31] =	ssyncpa.u1 $0x1  }
0x5f: {  	p0 =	sne.s32 s0, $0x0;
	_ =	strace $0x90000056  }
0x60: {  	s0 =	sadd.s32 @!p0 $0x100000, s1;
	[bflag:$0x2] =	sbarrier.arrive $0xFFFF  }
0x61: {  	[sflag:s0] =	ssyncadd.tile.s32 @!p0 $0x1;
	_ =	shalt  }
.Lfunc_end2:
_tile_overlayer_lowered:
.L_overlay_start_2:
0x62: {  	(tag) =	ssettag $0x2  }
0x63: {  	s0 =	rddreg [dreg:$0x0];
	s2 =	stileid.u32  }
0x64: {  	s1 =	rddreg [dreg:$0x1];
	p0 =	sne.s32 s2, $0x0  }
0x65: {  	s3 =	rddreg [dreg:$0x2];
	[bflag:$0x3] =	sbarrier.arrive $0xFFFF;
	s2 =	simm.s32 @!p0 $0x1C01  }
0x66: {  	[timem:s3], [sflag:s2] =	dma.local @!p0 [hbm:s0], s1  }
0x67: {  	s0 =	simm.s32 @!p0 $0x1  }
0x68: {  	_ =	swait.ge @!p0 [sflag:s0], s1  }
0x69: {  	s1 =	ssub.s32 @!p0 $0x0, s1;
	[sflag:s0] =	ssyncset.done @!p0 $0x0  }
0x6a: {  	[sflag:s0] =	ssyncadd.s32 @!p0 s1  }
0x6b: {  	[bflag:$0x3] =	sbarrier.arrive $0xFFFF  }
0x6c: {  	_ =	shalt  }

// kernel: gather_offload_async_start.2
scs
__scs_entry_jumppad:
0x0: {  	(pc) =	sbr.rel $0x88, $3  }
0x1: {  	(tag) =	ssettag $0x0;
	lr =	simm.s32 $0x1  }
0x2: {  	[smem:$0x3F8D] =	sst lr;
	_ =	strace $0xD0000000  }
0x3: {  	_ = 	snop  }
0x4: {  	_ = 	snop  }
0x5: {  	_ = 	snop  }
0x6: {  	_ = 	snop  }
0x7: {  	_ = 	snop  }
__scs_overlays_trampoline_lowered:
0x8: {  	[smem:$0x3F9C] =	sst s0  }
0x9: {  	[smem:$0x3F9D] =	sst s1  }
0xa: {  	[smem:$0x3F9E] =	sst s2  }
0xb: {  	[smem:$0x3F9F] =	sst s3  }
0xc: {  	[smem:$0x3FA0] =	sst s4  }
0xd: {  	[smem:$0x3FA1] =	sst s5  }
0xe: {  	[smem:$0x3FA2] =	sst s6  }
0xf: {  	[smem:$0x3FA3] =	sst s7  }
0x10: {  	[smem:$0x3FA4] =	sst s8  }
0x11: {  	[smem:$0x3FA5] =	sst s9;
	s0 =	simm.s32 @!p0 $0x0  }
0x12: {  	s1 =	sld [smem:$0x3F8B];
	s0 =	simm.s32 @p0 $0x1  }
0x13: {  	[smem:$0x3FA6] =	sst s0;
	s0 =	simm.s32 @!p1 $0x0  }
0x14: {  	s2 =	sld [smem:$0x3F8A];
	s0 =	simm.s32 @p1 $0x1  }
0x15: {  	[smem:$0x3FA7] =	sst s0;
	s0 =	simm.s32 @!p2 $0x0  }
0x16: {  	s3 =	sld [smem:$0x3FDB];
	s0 =	simm.s32 @p2 $0x1  }
0x17: {  	s4 =	simm.s32 $0x1BF5;
	[smem:$0x3FA9] =	sst s0  }
0x18: {  	s0 =	sld [smem:$0x3F8C];
	_ =	swait.ge [sflag:s4], $0x0  }
0x19: {  	s7 =	sld [smem:$0x3F8D]  }
0x1a: {  	s8 =	sadd.s32 $0xFFFFE003, lr  }
0x1b: {  	s9 =	sadd.s32 $0xFFFFFEF7, lr;
	s5 =	simm.s32 $0xFFFFFFFF;
	p2 =	slt.u32 s8, $0xFFFFF086  }
0x1c: {  	p1 =	slt.u32 s9, $0xF7A;
	s5 =	simm.s32 @!p2 $0x0  }
0x1d: {  	s5 =	simm.s32 @p1 $0x1;
	p0 =	seq.s32 s7, s2  }
0x1e: {  	s7 =	smul.u32 @!p0 $0xF7A, s2;
	p2 =	seq.s32 @!p0 s5, $0x0  }
0x1f: {  	s9 =	smul.u32 $0xF7A, s1;
	s8 =	simm.s32 @!p0 $0x1BF5;
	p2 =	por !p2, p0  }
0x20: {  	[sflag:s8] =	ssyncset.s32 @!p0 $0xFFFFF086;
	s6 =	sadd.s32 @!p0 s3, s7;
	s7 =	simm.s32 @!p0 $0x108  }
0x21: {  	s3 =	sadd.s32 s3, s9;
	s6 =	sadd.s32 @!p0 $0x88, s6;
	s7 =	simm.s32 @p2 $0x1082  }
0x22: {  	[simem:s7], [sflag:s8] =	dma.local @!p0 [hbm:s6], $0xF7A  }
0x23: {  	s9 =	sor.u32 $0xD0000000, s2;
	s6 =	simm.s32 $0x108;
	_ =	swait.ge @!p0 [sflag:s8], $0x0  }
0x24: {  	s3 =	sadd.s32 $0x88, s3;
	s6 =	simm.s32 @!p1 $0x1082;
	[sflag:s4] =	ssyncset.s32 $0xFFFFF086  }
0x25: {  	[simem:s6], [sflag:s4] =	dma.local [hbm:s3], $0xF7A  }
0x26: {  	[smem:$0x3F8D] =	sst s1;
	(tag) =	ssettag s2;
	_ =	strace s9  }
0x27: {  	s1 =	sld [smem:$0x3F9D]  }
0x28: {  	s2 =	sld [smem:$0x3F9E]  }
0x29: {  	s4 =	sld [smem:$0x3FA0]  }
0x2a: {  	p0 =	seq.s32 s5, $0x0;
	s5 =	sld [smem:$0x3FA1]  }
0x2b: {  	s6 =	sld [smem:$0x3FA2]  }
0x2c: {  	s7 =	sld [smem:$0x3FA3]  }
0x2d: {  	s3 =	simm.s32 $0x108;
	s8 =	sld [smem:$0x3FA4]  }
0x2e: {  	s3 =	simm.s32 @!p0 $0x1082;
	s9 =	sld [smem:$0x3FA5]  }
0x2f: {  	lr =	sadd.s32 s0, s3;
	s0 =	sld [smem:$0x3F9C]  }
0x30: {  	s3 =	sld [smem:$0x3F9F]  }
0x31: {  	[smem:$0x3FA8] =	sst s10  }
0x32: {  	s10 =	sld [smem:$0x3FA6];
	_ =	sdelay $0x3  }
0x33: {  	p0 =	seq.s32 s10, $0x1;
	s10 =	sld [smem:$0x3FA8];
	_ =	sdelay $0x3  }
0x34: {  	[smem:$0x3FA8] =	sst s10  }
0x35: {  	s10 =	sld [smem:$0x3FA7];
	_ =	sdelay $0x3  }
0x36: {  	p1 =	seq.s32 s10, $0x1;
	s10 =	sld [smem:$0x3FA8];
	_ =	sdelay $0x3  }
0x37: {  	[smem:$0x3FA8] =	sst s10  }
0x38: {  	s10 =	sld [smem:$0x3FA9]  }
0x39: {  	_ = 	snop;
	(pc) =	sbr.ind lr, $3  }
0x3a: {  	_ = 	snop  }
0x3b: {  	_ = 	snop  }
0x3c: {  	p2 =	seq.s32 s10, $0x1;
	s10 =	sld [smem:$0x3FA8]  }
0x3d: {  	_ =	shalt  }
0x3e: {  	_ =	shalt  }
0x3f: {  	_ =	shalt  }
0x40: {  	_ =	shalt  }
0x41: {  	_ =	shalt  }
0x42: {  	_ =	shalt  }
0x43: {  	_ =	shalt  }
0x44: {  	_ =	shalt  }
0x45: {  	_ =	shalt  }
0x46: {  	_ =	shalt  }
0x47: {  	_ =	shalt  }
0x48: {  	_ =	shalt  }
0x49: {  	_ =	shalt  }
0x4a: {  	_ =	shalt  }
0x4b: {  	_ =	shalt  }
0x4c: {  	_ =	shalt  }
0x4d: {  	_ =	shalt  }
0x4e: {  	_ =	shalt  }
0x4f: {  	_ =	shalt  }
0x50: {  	_ =	shalt  }
0x51: {  	_ =	shalt  }
0x52: {  	_ =	shalt  }
0x53: {  	_ =	shalt  }
0x54: {  	_ =	shalt  }
0x55: {  	_ =	shalt  }
0x56: {  	_ =	shalt  }
0x57: {  	_ =	shalt  }
0x58: {  	_ =	shalt  }
0x59: {  	_ =	shalt  }
0x5a: {  	_ =	shalt  }
0x5b: {  	_ =	shalt  }
0x5c: {  	_ =	shalt  }
0x5d: {  	_ =	shalt  }
0x5e: {  	_ =	shalt  }
0x5f: {  	_ =	shalt  }
0x60: {  	_ =	shalt  }
0x61: {  	_ =	shalt  }
0x62: {  	_ =	shalt  }
0x63: {  	_ =	shalt  }
0x64: {  	_ =	shalt  }
0x65: {  	_ =	shalt  }
0x66: {  	_ =	shalt  }
0x67: {  	_ =	shalt  }
0x68: {  	_ =	shalt  }
0x69: {  	_ =	shalt  }
0x6a: {  	_ =	shalt  }
0x6b: {  	_ =	shalt  }
0x6c: {  	_ =	shalt  }
0x6d: {  	_ =	shalt  }
0x6e: {  	_ =	shalt  }
0x6f: {  	_ =	shalt  }
0x70: {  	_ =	shalt  }
0x71: {  	_ =	shalt  }
0x72: {  	_ =	shalt  }
0x73: {  	_ =	shalt  }
0x74: {  	_ =	shalt  }
0x75: {  	_ =	shalt  }
0x76: {  	_ =	shalt  }
0x77: {  	_ =	shalt  }
0x78: {  	_ =	shalt  }
0x79: {  	_ =	shalt  }
0x7a: {  	_ =	shalt  }
0x7b: {  	_ =	shalt  }
0x7c: {  	_ =	shalt  }
0x7d: {  	_ =	shalt  }
0x7e: {  	_ =	shalt  }
0x7f: {  	_ =	shalt  }
0x80: {  	_ =	shalt  }
0x81: {  	_ =	shalt  }
0x82: {  	_ =	shalt  }
0x83: {  	_ =	shalt  }
0x84: {  	_ =	shalt  }
0x85: {  	_ =	shalt  }
0x86: {  	_ =	shalt  }
0x87: {  	_ =	shalt  }
.Lfunc_end0:
.L_simem_size_0:
called_computation.3_lowered:
.L_overlay_start_0:
0x88: {  	s2 =	sld [smem:$0x3FD9]  }
0x89: {  	s3 =	sld [smem:$0x3FFE];
	_ =	sdelay $0x1  }
0x8a: {  	s1 =	srdreg.scid  }
0x8b: {  	s0 =	sand.u32 $0x1, s1  }
0x8c: {  	s17 =	sshll.u32 s0, $0xA;
	s2 =	sadd.s32 s3, s2  }
0x8d: {  	s2 =	sadd.s32 s2, s17  }
0x8e: {  	[smem:$0x3FB4] =	sst s2  }
0x8f: {  	_ = 	snop  }
0x90: {  	(tm) =	ssettm $0x1  }
0x91: {  	s18 =	sld [smem:$0x3FFB];
	_ =	sdelay $0x3  }
0x92: {  	_ =	strace s18  }
0x93: {  	s2 =	sld [smem:$0x3FFC];
	_ =	sdelay $0x3  }
0x94: {  	_ =	strace s2  }
0x95: {  	s2 =	sld [smem:$0x3FFD];
	_ =	sdelay $0x3  }
0x96: {  	_ =	strace s2  }
0x97: {  	_ =	strace $0x8FFFFFFF  }
0x98: {  	s19 =	sld [smem:$0x3FDB];
	_ =	sdelay $0x1  }
0x99: {  	s20 =	simm.s32 $_scs_section_size  }
0x9a: {  	s4 =	simm.s32 $_size__tile_overlayer_lowered;
	s5 =	simm.s32 $_tile_overlayer_lowered  }
0x9b: {  	s6 =	simm.s32 $0x1BFF;
	s21 =	sshll.u32 s5, $0x1;
	s3 =	sadd.s32 s20, s19  }
0x9c: {  	s22 =	simm.s32 $0x0;
	s4 =	sshll.u32 s4, $0x1;
	s5 =	sadd.s32 s21, s3  }
0x9d: {  	[timem:s22], [sflag:s6] =	dma.local [hbm:s5], s4  }
0x9e: {  	_ =	swait.ge [sflag:s6], s4  }
0x9f: {  	s4 =	ssub.s32 $0x0, s4;
	[sflag:s6] =	ssyncset.done $0x0  }
0xa0: {  	[sflag:s6] =	ssyncadd.s32 s4;
	_ =	sdelay $0x1  }
0xa1: {  	s23 =	simm.s32 $0x1B8B  }
0xa2: {  	_ =	swait.ge [sflag:s23], $0x1  }
0xa3: {  	[sflag:s23] =	ssyncset.done $0x0  }
0xa4: {  	[sflag:s23] =	ssyncadd.s32 $0xFFFFFFFF  }
0xa5: {  	s4 =	sld [smem:$0x0]  }
0xa6: {  	s5 =	sand.u32 $0xFFFFFFFE, s1  }
0xa7: {  	p0 =	sne.s32 s1, s5  }
0xa8: {  	s5 =	sshll.u32 @p0 s5, $0xE  }
0xa9: {  	s5 =	sadd.s32 @p0 $0x11B8D, s5;
	s6 =	sshll.u32 @p0 s4, $0x11  }
0xaa: {  	s5 =	sor.u32 @p0 s6, s5  }
0xab: {  	[sflag:s5] =	ssyncadd.remote.s32 @p0 $0x1;
	_ =	sdelay $0x1  }
0xac: {  	s5 =	simm.s32 @p0 $0x1B8D  }
0xad: {  	_ =	swait.eq @p0 [sflag:s5], $0x1  }
0xae: {  	[sflag:s5] =	ssyncadd.s32 @p0 $0xFFFFFFFF  }
0xaf: {  	s6 =	sshll.u32 @!p0 s1, $0xE  }
0xb0: {  	s6 =	sor.u32 @!p0 $0x4000, s6;
	s5 =	simm.s32 @!p0 $0x1B8D  }
0xb1: {  	s4 =	sshll.u32 @!p0 s4, $0x11;
	s6 =	sadd.s32 @!p0 $0x11B8D, s6;
	_ =	swait.eq @!p0 [sflag:s5], $0x1  }
0xb2: {  	s4 =	sor.u32 @!p0 s4, s6;
	[sflag:s5] =	ssyncadd.s32 @!p0 $0xFFFFFFFF  }
0xb3: {  	s25 =	simm.s32 $0x1B8E;
	s24 =	sld [smem:$0x3FFE];
	[sflag:s4] =	ssyncadd.remote.s32 @!p0 $0x1  }
0xb4: {  	s26 =	simm.s32 $execute0_lowered;
	[smem:$0x3FD2] =	sst s25  }
0xb5: {  	s5 =	sshll.u32 s26, $0x1;
	_ =	strace $0x80000052;
	[dreg:$0x1] =	wrdreg $0xFFFFFFFF  }
0xb6: {  	s28 =	simm.s32 $_size_execute0_lowered;
	s3 =	sadd.s32 s3, s5;
	[dreg:$0x0] =	wrdreg $0x0  }
0xb7: {  	s5 =	sshll.u32 s28, $0x1;
	[dreg:$0x2] =	wrdreg s3  }
0xb8: {  	[dreg:$0x3] =	wrdreg s5  }
0xb9: {  	[dreg:$0x4] =	wrdreg $0xC0  }
0xba: {  	_ =	task [dreg:s22], $0x5FFFF  }
0xbb: {  	[dreg:$0x1] =	wrdreg $0xFFFFFFFF  }
0xbc: {  	[dreg:$0x0] =	wrdreg $0x60  }
0xbd: {  	[dreg:$0x2] =	wrdreg s24  }
0xbe: {  	[dreg:$0x3] =	wrdreg $0xA  }
0xbf: {  	_ =	task.clear_ibuf [dreg:s22], $0x4FFFF;
	_ =	strace $0x90000052  }
0xc0: {  	s29 =	simm.s32 $0xA;
	_ =	strace $0x80000054  }
0xc1: {  	_ =	swait.ge [sflag:s29], $0x1  }
0xc2: {  	[sflag:s29] =	ssyncadd.s32 $0xFFFFFFFF  }
0xc3: {  	_ =	strace $0x90000054  }
0xc4: {  	_ =	sfence  }
0xc5: {  	s30 =	sld [smem:$0x0];
	_ =	sdelay $0x2  }
0xc6: {  	s31 =	sshll.u32 s1, $0xD;
	s1 =	sshrl.u32 s1, $0x2  }
0xc7: {  	s4 =	sand.u32 $0x4000, s31;
	s1 =	sadd.s32 s1, s30  }
0xc8: {  	s0 =	sor.u32 s4, s0;
	s1 =	sshll.u32 s1, $0x11  }
0xc9: {  	s0 =	sor.u32 s1, s0  }
0xca: {  	s0 =	sadd.s32 $0x8F2B, s0  }
0xcb: {  	[sflag:s0] =	ssyncadd.remote.s32 $0x1  }
0xcc: {  	_ =	sfence.sel $0xFFFF  }
0xcd: {  	[dreg:$0x0] =	wrdreg $0xFFFFFFFF;
	(pc) =	sbr.abs _section_cstart, $3  }
0xce: {  	[dreg:$0x1] =	wrdreg $0xFFFFFFFF  }
0xcf: {  	_ =	task.clear_ibuf [dreg:s22], $0x2FFFF;
	_ =	strace $0x9FFFFFFF  }
0xd0: {  	(tm) =	ssettm $0x7FFFFFFF  }
0xd1: {  	_ =	shalt  }
tec
execute0_lowered:
.L_overlay_start_1:
0x0: {  	(tag) =	ssettag $0x1  }
0x1: {  	s0 =	srdreg.scid  }
0x2: {  	s1 =	sshll.u32 s0, $0x4  }
0x3: {  	s0 =	stileid.u32;
	s1 =	sand.u32 $0x10, s1  }
0x4: {  	s1 =	sor.u32 s0, s1  }
0x5: {  	s2 =	smul.u32 $0x7, s1  }
0x6: {  	s3 =	smin.u32 s1, $0x1A  }
0x7: {  	s2 =	sadd.s32 s3, s2  }
0x8: {  	p0 =	slt.u32 s1, $0x1A;
	s1 =	simm.s32 $0xA00;
	s2 =	smul.u32 $0x140, s2  }
0x9: {  	s1 =	simm.s32 @!p0 $0x8C0  }
0xa: {  	s1 =	sadd.s32 s1, s2  }
0xb: {  	s3 =	smin.u32 s1, $0x13880  }
0xc: {  	s7 =	ssub.s32 s3, s2  }
0xd: {  	p0 =	sgt.s32 s7, $0x0  }
0xe: {  	s7 =	simm.s32 @!p0 $0x0  }
0xf: {  	s4 =	smulhi.u32 $0x66666667, s7  }
0x10: {  	s9 =	rddreg [dreg:$0x0];
	s6 =	simm.s32 $0x1;
	s11 =	simm.s32 $0x3  }
0x11: {  	s13 =	simm.s32 $0x0;
	s12 =	simm.s32 $0x0;
	s8 =	sshrl.u32 s4, $0x7  }
0x12: {  	s1 =	rddreg [dreg:$0x1];
	_ =	strace $0x80000053;
	s10 =	smul.u32 $0x140, s8  }
.Ltmp0:
0x13: {  	s5 =	sadd.s32 $0xAA00, s9;
	[sflag:s6] =	ssyncpa.u1 $0x0;
	(pc) =	sbr.rel .LBB2_1-.Ltmp0, $4  }
0x14: {  	s4 =	sadd.s32 $0x767A00, s9;
	p0 =	sne.s32 s7, s10;
	s10 =	simm.s32 $0x1  }
0x15: {  	s9 =	sadd.s32 $0xD82200, s9;
	s7 =	simm.s32 $0x2;
	s10 =	simm.s32 @!p0 $0x0  }
0x16: {  	[sflag:s7] =	ssyncpa.u1 $0x0;
	p0 =	por $0x0, $0x0;
	s8 =	sadd.s32 s10, s8  }
0x17: {  	vm0 =	vmmov $0xff;
	vm1 =	vcmask $0x3F20;
	[sflag:s11] =	ssyncpa.u1 $0x0;
	s11 =	smov.u32 s2;
	s10 =	sadd.s32 $0x1, s8  }
.LBB2_6:
0x18: {  	[hbm:s17] =	stream.linear.scatter [tilespmem:s14], [sflag:$0x3], $0x400, $0x38;
	[tilespmem:$0x14280] =	vst v63  }
.LBB2_7:
0x19: {  	s13 =	sadd.s32 $0x140, s11  }
0x1a: {  	s15 =	smov.u32 s2;
	p2 =	slt.s32 s13, s3  }
0x1b: {  	s15 =	smov.u32 @p2 s13;
	p2 =	sne.s32 s12, s10  }
.Ltmp1:
0x1c: {  	p1 =	slt.u32 s12, $0x2;
	(pc) =	sbr.rel @!p2 .LBB2_8-.Ltmp1, $4  }
0x1d: {  	s14 =	simm.s32 @!p1 $0x3  }
0x1e: {  	s16 =	sadd.s32 $0x1, s12;
	_ =	swait.ge @!p1 [sflag:s14], $0xA000  }
0x1f: {  	p0 =	por !p0, !p0;
	s13 =	smov.u32 s11;
	[sflag:s14] =	ssyncset.done @!p1 $0x0  }
0x20: {  	s12 =	smov.u32 s16;
	s11 =	smov.u32 s15;
	[sflag:s14] =	ssyncadd.s32 @!p1 $0xFFFF6000  }
.LBB2_1:
0x21: {  	p1 =	sge.u32 s12, s8  }
0x22: {  	s14 =	sxor.u32 @!p1 $0xFFFFFFFF, s12  }
0x23: {  	s14 =	sand.u32 @!p1 $0x1, s14  }
0x24: {  	s14 =	smul.u32 @!p1 $0x500, s14  }
0x25: {  	s31 =	sadd.s32 $0xFFFFFFFF, s12;
	s15 =	sshrl.u32 @!p1 s11, $0x3  }
0x26: {  	s16 =	sand.u32 @!p1 $0x7, s11;
	s15 =	sadd.s32 @!p1 s5, s15;
	s14 =	sshrl.u32 @!p1 s14, $0x2  }
0x27: {  	[tilespmem:s14], [sflag:$0x2] =	stream.linear.gather @!p1 [hbm4b:s15+s16], $0x140, $0x38;
	[tilespmem:$0x14280] =	vst v63  }
0x28: {  	p1 =	sge.u32 s31, s8  }
.Ltmp2:
0x29: {  	_ = 	snop;
	(pc) =	sbr.rel @p1 .LBB2_7-.Ltmp2, $1  }
0x2a: {  	_ =	sdelay $0x3  }
0x2b: {  	s14 =	simm.s32 $0x1  }
0x2c: {  	s14 =	simm.s32 @!p0 $0x0  }
0x2d: {  	s15 =	smul.u32 $0x500, s14  }
0x2e: {  	_ =	swait.ge [sflag:s7], $0x140  }
0x2f: {  	[sflag:s7] =	ssyncset.done $0x0;
	s16 =	sshrl.u32 s15, $0x2  }
0x30: {  	[sflag:s7] =	ssyncadd.s32 $0xFFFFFEC0;
	s15 =	sadd.s32 $0x0, s16  }
0x31: {  	v0 =	vld.msk [tilespmem:s15+$0x0 ss:$0x1], $0xffff;
	_ =	sdelay $0x4  }
0x32: {  	vm2 =	vgt.s32 v0, $0x0  }
0x33: {  	v0 =	vnsel vm2, $0x0, v0  }
0x34: {  	v0 =	vmin.u32 v0, $0x1387F  }
0x35: {  	v0 =	vshll.u32 v0, $0x4  }
0x36: {  	s14 =	smul.u32 $0x28000, s14;
	_ =	sdelay $0x1  }
0x37: {  	s14 =	sshrl.u32 s14, $0x2  }
0x38: {  	s14 =	sor.u32 $0x280, s14  }
0x39: {  	[tilespmem:s14], [sflag:$0x1] =	stream.indirect_vreg.gather [hbm:s4], $0x80, v0, vm0, $0x38;
	[tilespmem:$0x14280] =	vst v63  }
0x3a: {  	s17 =	sadd.s32 $0x10, s16;
	s15 =	sadd.s32 $0x400, s14  }
0x3b: {  	[tilespmem:s15], [sflag:$0x1] =	stream.indirect_vreg.gather [hbm:s4], $0x80, v0, vm1, $0x38;
	[tilespmem:$0x14280] =	vst v63  }
0x3c: {  	s18 =	simm.s32 $0x80;
	v0 =	vld.msk [tilespmem:s17+$0x0 ss:$0x1], $0xffff;
	s17 =	smov.u32 s14  }
.LBB2_3:
0x3d: {  	p1 =	sne.s32 s18, $0x4C0;
	_ =	sdelay $0x4  }
0x3e: {  	vm2 =	vgt.s32 v0, $0x0  }
0x3f: {  	v0 =	vnsel vm2, $0x0, v0  }
0x40: {  	v0 =	vmin.u32 v0, $0x1387F  }
0x41: {  	v0 =	vshll.u32 v0, $0x4;
	_ =	sdelay $0x3  }
.Ltmp3:
0x42: {  	s19 =	sshra.s32 s18, $0x2;
	s17 =	sadd.s32 $0x800, s17;
	(pc) =	sbr.rel @p1 .LBB2_3-.Ltmp3, $4  }
0x43: {  	[tilespmem:s17], [sflag:$0x1] =	stream.indirect_vreg.gather [hbm:s4], $0x80, v0, vm0, $0x38;
	[tilespmem:$0x14280] =	vst v63  }
0x44: {  	s19 =	sadd.s32 s19, s16;
	s20 =	sadd.s32 $0x400, s17  }
0x45: {  	[tilespmem:s20], [sflag:$0x1] =	stream.indirect_vreg.gather [hbm:s4], $0x80, v0, vm1, $0x38;
	[tilespmem:$0x14280] =	vst v63  }
0x46: {  	s18 =	sadd.s32 $0x40, s18;
	v0 =	vld.msk [tilespmem:s19+$0x0 ss:$0x1], $0xffff  }
0x47: {  	_ =	sdelay $0x3  }
0x48: {  	vm2 =	vgt.s32 v0, $0x0  }
0x49: {  	v0 =	vnsel vm2, $0x0, v0  }
0x4a: {  	v0 =	vmin.u32 v0, $0x1387F  }
0x4b: {  	v0 =	vshll.u32 v0, $0x4;
	_ =	sdelay $0x3  }
0x4c: {  	s16 =	sadd.s32 $0x800, s17  }
0x4d: {  	[tilespmem:s16], [sflag:$0x1] =	stream.indirect_vreg.gather [hbm:s4], $0x80, v0, vm0, $0x38;
	[tilespmem:$0x14280] =	vst v63  }
0x4e: {  	s16 =	sadd.s32 $0x400, s16  }
0x4f: {  	[tilespmem:s16], [sflag:$0x1] =	stream.indirect_vreg.gather [hbm:s4], $0x80, v0, vm1, $0x38;
	[tilespmem:$0x14280] =	vst v63  }
0x50: {  	s13 =	sshll.u32 s13, $0x4;
	_ =	swait.ge [sflag:s6], $0xA000  }
0x51: {  	s13 =	sadd.s32 s13, s9;
	[sflag:s6] =	ssyncset.done $0x0  }
0x52: {  	s17 =	sadd.s32 $0x0, s13;
	s16 =	simm.s32 $0x80;
	[sflag:s6] =	ssyncadd.s32 $0xFFFF6000  }
.LBB2_5:
0x53: {  	[hbm:s17] =	stream.linear.scatter [tilespmem:s14], [sflag:$0x3], $0x400, $0x38;
	[tilespmem:$0x14280] =	vst v63  }
0x54: {  	s17 =	smov.u32 s16;
	s14 =	smov.u32 s15;
	p1 =	sne.s32 s16, $0x1380  }
.Ltmp4:
0x55: {  	s16 =	sadd.s32 $0x80, s16;
	(pc) =	sbr.rel @p1 .LBB2_5-.Ltmp4, $2  }
0x56: {  	_ =	sdelay $0x2  }
0x57: {  	s15 =	sadd.s32 $0x400, s15;
	s17 =	sadd.s32 s17, s13  }
.Ltmp5:
0x58: {  	_ = 	snop;
	(pc) =	sbr.rel .LBB2_6-.Ltmp5, $1  }
0x59: {  	_ =	sdelay $0x3  }
.LBB2_8:
0x5a: {  	_ =	sfence.sel $0x180000  }
0x5b: {  	s2 =	simm.s32 $0x2;
	[bflag:$0x0] =	sbarrier.arrive $0xFFFF  }
0x5c: {  	s30 =	simm.s32 $0x3;
	[sflag:s2] =	ssyncpa.u1 $0x1  }
0x5d: {  	s31 =	simm.s32 $0x1;
	[sflag:s30] =	ssyncpa.u1 $0x1  }
0x5e: {  	[sflag:s31] =	ssyncpa.u1 $0x1  }
0x5f: {  	p0 =	sne.s32 s0, $0x0;
	_ =	strace $0x90000053  }
0x60: {  	s0 =	sadd.s32 @!p0 $0x100000, s1;
	[bflag:$0x2] =	sbarrier.arrive $0xFFFF  }
0x61: {  	[sflag:s0] =	ssyncadd.tile.s32 @!p0 $0x1;
	_ =	shalt  }
.Lfunc_end2:
_tile_overlayer_lowered:
.L_overlay_start_2:
0x62: {  	(tag) =	ssettag $0x2  }
0x63: {  	s0 =	rddreg [dreg:$0x0];
	s2 =	stileid.u32  }
0x64: {  	s1 =	rddreg [dreg:$0x1];
	p0 =	sne.s32 s2, $0x0  }
0x65: {  	s3 =	rddreg [dreg:$0x2];
	[bflag:$0x3] =	sbarrier.arrive $0xFFFF;
	s2 =	simm.s32 @!p0 $0x1C01  }
0x66: {  	[timem:s3], [sflag:s2] =	dma.local @!p0 [hbm:s0], s1  }
0x67: {  	s0 =	simm.s32 @!p0 $0x1  }
0x68: {  	_ =	swait.ge @!p0 [sflag:s0], s1  }
0x69: {  	s1 =	ssub.s32 @!p0 $0x0, s1;
	[sflag:s0] =	ssyncset.done @!p0 $0x0  }
0x6a: {  	[sflag:s0] =	ssyncadd.s32 @!p0 s1  }
0x6b: {  	[bflag:$0x3] =	sbarrier.arrive $0xFFFF  }
0x6c: {  	_ =	shalt  }

// kernel: gather_offload_async_start.3
scs
__scs_entry_jumppad:
0x0: {  	(pc) =	sbr.rel $0x88, $3  }
0x1: {  	(tag) =	ssettag $0x0;
	lr =	simm.s32 $0x1  }
0x2: {  	[smem:$0x3F8D] =	sst lr;
	_ =	strace $0xD0000000  }
0x3: {  	_ = 	snop  }
0x4: {  	_ = 	snop  }
0x5: {  	_ = 	snop  }
0x6: {  	_ = 	snop  }
0x7: {  	_ = 	snop  }
__scs_overlays_trampoline_lowered:
0x8: {  	[smem:$0x3F9C] =	sst s0  }
0x9: {  	[smem:$0x3F9D] =	sst s1  }
0xa: {  	[smem:$0x3F9E] =	sst s2  }
0xb: {  	[smem:$0x3F9F] =	sst s3  }
0xc: {  	[smem:$0x3FA0] =	sst s4  }
0xd: {  	[smem:$0x3FA1] =	sst s5  }
0xe: {  	[smem:$0x3FA2] =	sst s6  }
0xf: {  	[smem:$0x3FA3] =	sst s7  }
0x10: {  	[smem:$0x3FA4] =	sst s8  }
0x11: {  	[smem:$0x3FA5] =	sst s9;
	s0 =	simm.s32 @!p0 $0x0  }
0x12: {  	s1 =	sld [smem:$0x3F8B];
	s0 =	simm.s32 @p0 $0x1  }
0x13: {  	[smem:$0x3FA6] =	sst s0;
	s0 =	simm.s32 @!p1 $0x0  }
0x14: {  	s2 =	sld [smem:$0x3F8A];
	s0 =	simm.s32 @p1 $0x1  }
0x15: {  	[smem:$0x3FA7] =	sst s0;
	s0 =	simm.s32 @!p2 $0x0  }
0x16: {  	s3 =	sld [smem:$0x3FDB];
	s0 =	simm.s32 @p2 $0x1  }
0x17: {  	s4 =	simm.s32 $0x1BF5;
	[smem:$0x3FA9] =	sst s0  }
0x18: {  	s0 =	sld [smem:$0x3F8C];
	_ =	swait.ge [sflag:s4], $0x0  }
0x19: {  	s7 =	sld [smem:$0x3F8D]  }
0x1a: {  	s8 =	sadd.s32 $0xFFFFE003, lr  }
0x1b: {  	s9 =	sadd.s32 $0xFFFFFEF7, lr;
	s5 =	simm.s32 $0xFFFFFFFF;
	p2 =	slt.u32 s8, $0xFFFFF086  }
0x1c: {  	p1 =	slt.u32 s9, $0xF7A;
	s5 =	simm.s32 @!p2 $0x0  }
0x1d: {  	s5 =	simm.s32 @p1 $0x1;
	p0 =	seq.s32 s7, s2  }
0x1e: {  	s7 =	smul.u32 @!p0 $0xF7A, s2;
	p2 =	seq.s32 @!p0 s5, $0x0  }
0x1f: {  	s9 =	smul.u32 $0xF7A, s1;
	s8 =	simm.s32 @!p0 $0x1BF5;
	p2 =	por !p2, p0  }
0x20: {  	[sflag:s8] =	ssyncset.s32 @!p0 $0xFFFFF086;
	s6 =	sadd.s32 @!p0 s3, s7;
	s7 =	simm.s32 @!p0 $0x108  }
0x21: {  	s3 =	sadd.s32 s3, s9;
	s6 =	sadd.s32 @!p0 $0x88, s6;
	s7 =	simm.s32 @p2 $0x1082  }
0x22: {  	[simem:s7], [sflag:s8] =	dma.local @!p0 [hbm:s6], $0xF7A  }
0x23: {  	s9 =	sor.u32 $0xD0000000, s2;
	s6 =	simm.s32 $0x108;
	_ =	swait.ge @!p0 [sflag:s8], $0x0  }
0x24: {  	s3 =	sadd.s32 $0x88, s3;
	s6 =	simm.s32 @!p1 $0x1082;
	[sflag:s4] =	ssyncset.s32 $0xFFFFF086  }
0x25: {  	[simem:s6], [sflag:s4] =	dma.local [hbm:s3], $0xF7A  }
0x26: {  	[smem:$0x3F8D] =	sst s1;
	(tag) =	ssettag s2;
	_ =	strace s9  }
0x27: {  	s1 =	sld [smem:$0x3F9D]  }
0x28: {  	s2 =	sld [smem:$0x3F9E]  }
0x29: {  	s4 =	sld [smem:$0x3FA0]  }
0x2a: {  	p0 =	seq.s32 s5, $0x0;
	s5 =	sld [smem:$0x3FA1]  }
0x2b: {  	s6 =	sld [smem:$0x3FA2]  }
0x2c: {  	s7 =	sld [smem:$0x3FA3]  }
0x2d: {  	s3 =	simm.s32 $0x108;
	s8 =	sld [smem:$0x3FA4]  }
0x2e: {  	s3 =	simm.s32 @!p0 $0x1082;
	s9 =	sld [smem:$0x3FA5]  }
0x2f: {  	lr =	sadd.s32 s0, s3;
	s0 =	sld [smem:$0x3F9C]  }
0x30: {  	s3 =	sld [smem:$0x3F9F]  }
0x31: {  	[smem:$0x3FA8] =	sst s10  }
0x32: {  	s10 =	sld [smem:$0x3FA6];
	_ =	sdelay $0x3  }
0x33: {  	p0 =	seq.s32 s10, $0x1;
	s10 =	sld [smem:$0x3FA8];
	_ =	sdelay $0x3  }
0x34: {  	[smem:$0x3FA8] =	sst s10  }
0x35: {  	s10 =	sld [smem:$0x3FA7];
	_ =	sdelay $0x3  }
0x36: {  	p1 =	seq.s32 s10, $0x1;
	s10 =	sld [smem:$0x3FA8];
	_ =	sdelay $0x3  }
0x37: {  	[smem:$0x3FA8] =	sst s10  }
0x38: {  	s10 =	sld [smem:$0x3FA9]  }
0x39: {  	_ = 	snop;
	(pc) =	sbr.ind lr, $3  }
0x3a: {  	_ = 	snop  }
0x3b: {  	_ = 	snop  }
0x3c: {  	p2 =	seq.s32 s10, $0x1;
	s10 =	sld [smem:$0x3FA8]  }
0x3d: {  	_ =	shalt  }
0x3e: {  	_ =	shalt  }
0x3f: {  	_ =	shalt  }
0x40: {  	_ =	shalt  }
0x41: {  	_ =	shalt  }
0x42: {  	_ =	shalt  }
0x43: {  	_ =	shalt  }
0x44: {  	_ =	shalt  }
0x45: {  	_ =	shalt  }
0x46: {  	_ =	shalt  }
0x47: {  	_ =	shalt  }
0x48: {  	_ =	shalt  }
0x49: {  	_ =	shalt  }
0x4a: {  	_ =	shalt  }
0x4b: {  	_ =	shalt  }
0x4c: {  	_ =	shalt  }
0x4d: {  	_ =	shalt  }
0x4e: {  	_ =	shalt  }
0x4f: {  	_ =	shalt  }
0x50: {  	_ =	shalt  }
0x51: {  	_ =	shalt  }
0x52: {  	_ =	shalt  }
0x53: {  	_ =	shalt  }
0x54: {  	_ =	shalt  }
0x55: {  	_ =	shalt  }
0x56: {  	_ =	shalt  }
0x57: {  	_ =	shalt  }
0x58: {  	_ =	shalt  }
0x59: {  	_ =	shalt  }
0x5a: {  	_ =	shalt  }
0x5b: {  	_ =	shalt  }
0x5c: {  	_ =	shalt  }
0x5d: {  	_ =	shalt  }
0x5e: {  	_ =	shalt  }
0x5f: {  	_ =	shalt  }
0x60: {  	_ =	shalt  }
0x61: {  	_ =	shalt  }
0x62: {  	_ =	shalt  }
0x63: {  	_ =	shalt  }
0x64: {  	_ =	shalt  }
0x65: {  	_ =	shalt  }
0x66: {  	_ =	shalt  }
0x67: {  	_ =	shalt  }
0x68: {  	_ =	shalt  }
0x69: {  	_ =	shalt  }
0x6a: {  	_ =	shalt  }
0x6b: {  	_ =	shalt  }
0x6c: {  	_ =	shalt  }
0x6d: {  	_ =	shalt  }
0x6e: {  	_ =	shalt  }
0x6f: {  	_ =	shalt  }
0x70: {  	_ =	shalt  }
0x71: {  	_ =	shalt  }
0x72: {  	_ =	shalt  }
0x73: {  	_ =	shalt  }
0x74: {  	_ =	shalt  }
0x75: {  	_ =	shalt  }
0x76: {  	_ =	shalt  }
0x77: {  	_ =	shalt  }
0x78: {  	_ =	shalt  }
0x79: {  	_ =	shalt  }
0x7a: {  	_ =	shalt  }
0x7b: {  	_ =	shalt  }
0x7c: {  	_ =	shalt  }
0x7d: {  	_ =	shalt  }
0x7e: {  	_ =	shalt  }
0x7f: {  	_ =	shalt  }
0x80: {  	_ =	shalt  }
0x81: {  	_ =	shalt  }
0x82: {  	_ =	shalt  }
0x83: {  	_ =	shalt  }
0x84: {  	_ =	shalt  }
0x85: {  	_ =	shalt  }
0x86: {  	_ =	shalt  }
0x87: {  	_ =	shalt  }
.Lfunc_end0:
.L_simem_size_0:
called_computation.4_lowered:
.L_overlay_start_0:
0x88: {  	s2 =	sld [smem:$0x3FD9]  }
0x89: {  	s3 =	sld [smem:$0x3FFE];
	_ =	sdelay $0x1  }
0x8a: {  	s1 =	srdreg.scid  }
0x8b: {  	s0 =	sand.u32 $0x1, s1  }
0x8c: {  	s17 =	sshll.u32 s0, $0xA;
	s2 =	sadd.s32 s3, s2  }
0x8d: {  	s2 =	sadd.s32 s2, s17  }
0x8e: {  	[smem:$0x3FB4] =	sst s2  }
0x8f: {  	_ = 	snop  }
0x90: {  	(tm) =	ssettm $0x1  }
0x91: {  	s18 =	sld [smem:$0x3FFB];
	_ =	sdelay $0x3  }
0x92: {  	_ =	strace s18  }
0x93: {  	s2 =	sld [smem:$0x3FFC];
	_ =	sdelay $0x3  }
0x94: {  	_ =	strace s2  }
0x95: {  	s2 =	sld [smem:$0x3FFD];
	_ =	sdelay $0x3  }
0x96: {  	_ =	strace s2  }
0x97: {  	_ =	strace $0x8FFFFFFF  }
0x98: {  	s19 =	sld [smem:$0x3FDB];
	_ =	sdelay $0x1  }
0x99: {  	s20 =	simm.s32 $_scs_section_size  }
0x9a: {  	s4 =	simm.s32 $_size__tile_overlayer_lowered;
	s5 =	simm.s32 $_tile_overlayer_lowered  }
0x9b: {  	s6 =	simm.s32 $0x1BFF;
	s21 =	sshll.u32 s5, $0x1;
	s3 =	sadd.s32 s20, s19  }
0x9c: {  	s22 =	simm.s32 $0x0;
	s4 =	sshll.u32 s4, $0x1;
	s5 =	sadd.s32 s21, s3  }
0x9d: {  	[timem:s22], [sflag:s6] =	dma.local [hbm:s5], s4  }
0x9e: {  	_ =	swait.ge [sflag:s6], s4  }
0x9f: {  	s4 =	ssub.s32 $0x0, s4;
	[sflag:s6] =	ssyncset.done $0x0  }
0xa0: {  	[sflag:s6] =	ssyncadd.s32 s4;
	_ =	sdelay $0x1  }
0xa1: {  	s23 =	simm.s32 $0x1B8B  }
0xa2: {  	_ =	swait.ge [sflag:s23], $0x1  }
0xa3: {  	[sflag:s23] =	ssyncset.done $0x0  }
0xa4: {  	[sflag:s23] =	ssyncadd.s32 $0xFFFFFFFF  }
0xa5: {  	s4 =	sld [smem:$0x0]  }
0xa6: {  	s5 =	sand.u32 $0xFFFFFFFE, s1  }
0xa7: {  	p0 =	sne.s32 s1, s5  }
0xa8: {  	s5 =	sshll.u32 @p0 s5, $0xE  }
0xa9: {  	s5 =	sadd.s32 @p0 $0x11B8D, s5;
	s6 =	sshll.u32 @p0 s4, $0x11  }
0xaa: {  	s5 =	sor.u32 @p0 s6, s5  }
0xab: {  	[sflag:s5] =	ssyncadd.remote.s32 @p0 $0x1;
	_ =	sdelay $0x1  }
0xac: {  	s5 =	simm.s32 @p0 $0x1B8D  }
0xad: {  	_ =	swait.eq @p0 [sflag:s5], $0x1  }
0xae: {  	[sflag:s5] =	ssyncadd.s32 @p0 $0xFFFFFFFF  }
0xaf: {  	s6 =	sshll.u32 @!p0 s1, $0xE  }
0xb0: {  	s6 =	sor.u32 @!p0 $0x4000, s6;
	s5 =	simm.s32 @!p0 $0x1B8D  }
0xb1: {  	s4 =	sshll.u32 @!p0 s4, $0x11;
	s6 =	sadd.s32 @!p0 $0x11B8D, s6;
	_ =	swait.eq @!p0 [sflag:s5], $0x1  }
0xb2: {  	s4 =	sor.u32 @!p0 s4, s6;
	[sflag:s5] =	ssyncadd.s32 @!p0 $0xFFFFFFFF  }
0xb3: {  	s25 =	simm.s32 $0x1B8E;
	s24 =	sld [smem:$0x3FFE];
	[sflag:s4] =	ssyncadd.remote.s32 @!p0 $0x1  }
0xb4: {  	s26 =	simm.s32 $execute0_lowered;
	[smem:$0x3FD2] =	sst s25  }
0xb5: {  	s5 =	sshll.u32 s26, $0x1;
	_ =	strace $0x8000004F;
	[dreg:$0x1] =	wrdreg $0xFFFFFFFF  }
0xb6: {  	s28 =	simm.s32 $_size_execute0_lowered;
	s3 =	sadd.s32 s3, s5;
	[dreg:$0x0] =	wrdreg $0x0  }
0xb7: {  	s5 =	sshll.u32 s28, $0x1;
	[dreg:$0x2] =	wrdreg s3  }
0xb8: {  	[dreg:$0x3] =	wrdreg s5  }
0xb9: {  	[dreg:$0x4] =	wrdreg $0xC0  }
0xba: {  	_ =	task [dreg:s22], $0x5FFFF  }
0xbb: {  	[dreg:$0x1] =	wrdreg $0xFFFFFFFF  }
0xbc: {  	[dreg:$0x0] =	wrdreg $0x60  }
0xbd: {  	[dreg:$0x2] =	wrdreg s24  }
0xbe: {  	[dreg:$0x3] =	wrdreg $0xB  }
0xbf: {  	_ =	task.clear_ibuf [dreg:s22], $0x4FFFF;
	_ =	strace $0x9000004F  }
0xc0: {  	s29 =	simm.s32 $0xB;
	_ =	strace $0x80000051  }
0xc1: {  	_ =	swait.ge [sflag:s29], $0x1  }
0xc2: {  	[sflag:s29] =	ssyncadd.s32 $0xFFFFFFFF  }
0xc3: {  	_ =	strace $0x90000051  }
0xc4: {  	_ =	sfence  }
0xc5: {  	s30 =	sld [smem:$0x0];
	_ =	sdelay $0x2  }
0xc6: {  	s31 =	sshll.u32 s1, $0xD;
	s1 =	sshrl.u32 s1, $0x2  }
0xc7: {  	s4 =	sand.u32 $0x4000, s31;
	s1 =	sadd.s32 s1, s30  }
0xc8: {  	s0 =	sor.u32 s4, s0;
	s1 =	sshll.u32 s1, $0x11  }
0xc9: {  	s0 =	sor.u32 s1, s0  }
0xca: {  	s0 =	sadd.s32 $0x8F2B, s0  }
0xcb: {  	[sflag:s0] =	ssyncadd.remote.s32 $0x1  }
0xcc: {  	_ =	sfence.sel $0xFFFF  }
0xcd: {  	[dreg:$0x0] =	wrdreg $0xFFFFFFFF;
	(pc) =	sbr.abs _section_cstart, $3  }
0xce: {  	[dreg:$0x1] =	wrdreg $0xFFFFFFFF  }
0xcf: {  	_ =	task.clear_ibuf [dreg:s22], $0x2FFFF;
	_ =	strace $0x9FFFFFFF  }
0xd0: {  	(tm) =	ssettm $0x7FFFFFFF  }
0xd1: {  	_ =	shalt  }
tec
execute0_lowered:
.L_overlay_start_1:
0x0: {  	(tag) =	ssettag $0x1  }
0x1: {  	s0 =	srdreg.scid  }
0x2: {  	s1 =	sshll.u32 s0, $0x4  }
0x3: {  	s0 =	stileid.u32;
	s1 =	sand.u32 $0x10, s1  }
0x4: {  	s1 =	sor.u32 s0, s1  }
0x5: {  	s2 =	smul.u32 $0x7, s1  }
0x6: {  	s3 =	smin.u32 s1, $0x1A  }
0x7: {  	s2 =	sadd.s32 s3, s2  }
0x8: {  	p0 =	slt.u32 s1, $0x1A;
	s1 =	simm.s32 $0xA00;
	s2 =	smul.u32 $0x140, s2  }
0x9: {  	s1 =	simm.s32 @!p0 $0x8C0  }
0xa: {  	s1 =	sadd.s32 s1, s2  }
0xb: {  	s3 =	smin.u32 s1, $0x13880  }
0xc: {  	s7 =	ssub.s32 s3, s2  }
0xd: {  	p0 =	sgt.s32 s7, $0x0  }
0xe: {  	s7 =	simm.s32 @!p0 $0x0  }
0xf: {  	s31 =	smulhi.u32 $0x66666667, s7  }
0x10: {  	s9 =	rddreg [dreg:$0x0];
	s6 =	simm.s32 $0x1;
	s11 =	simm.s32 $0x3  }
0x11: {  	s13 =	simm.s32 $0x0;
	s12 =	simm.s32 $0x0;
	s8 =	sshrl.u32 s31, $0x7  }
0x12: {  	s4 =	sadd.s32 $0xFA00, s9;
	s5 =	sadd.s32 $0xAA00, s9;
	s10 =	smul.u32 $0x140, s8  }
.Ltmp0:
0x13: {  	s9 =	sadd.s32 $0xC49A00, s9;
	s1 =	rddreg [dreg:$0x1];
	(pc) =	sbr.rel .LBB2_1-.Ltmp0, $4  }
0x14: {  	_ =	strace $0x80000050;
	p0 =	sne.s32 s7, s10;
	s10 =	simm.s32 $0x1  }
0x15: {  	[sflag:s6] =	ssyncpa.u1 $0x0;
	s7 =	simm.s32 $0x2;
	s10 =	simm.s32 @!p0 $0x0  }
0x16: {  	[sflag:s7] =	ssyncpa.u1 $0x0;
	p0 =	por $0x0, $0x0;
	s8 =	sadd.s32 s10, s8  }
0x17: {  	vm0 =	vmmov $0xff;
	vm1 =	vcmask $0x3F20;
	[sflag:s11] =	ssyncpa.u1 $0x0;
	s11 =	smov.u32 s2;
	s10 =	sadd.s32 $0x1, s8  }
.LBB2_6:
0x18: {  	[hbm:s17] =	stream.linear.scatter [tilespmem:s14], [sflag:$0x3], $0x400, $0x38;
	[tilespmem:$0x14280] =	vst v63  }
.LBB2_7:
0x19: {  	s13 =	sadd.s32 $0x140, s11  }
0x1a: {  	s15 =	smov.u32 s2;
	p2 =	slt.s32 s13, s3  }
0x1b: {  	s15 =	smov.u32 @p2 s13;
	p2 =	sne.s32 s12, s10  }
.Ltmp1:
0x1c: {  	p1 =	slt.u32 s12, $0x2;
	(pc) =	sbr.rel @!p2 .LBB2_8-.Ltmp1, $4  }
0x1d: {  	s14 =	simm.s32 @!p1 $0x3  }
0x1e: {  	s16 =	sadd.s32 $0x1, s12;
	_ =	swait.ge @!p1 [sflag:s14], $0xA000  }
0x1f: {  	p0 =	por !p0, !p0;
	s13 =	smov.u32 s11;
	[sflag:s14] =	ssyncset.done @!p1 $0x0  }
0x20: {  	s12 =	smov.u32 s16;
	s11 =	smov.u32 s15;
	[sflag:s14] =	ssyncadd.s32 @!p1 $0xFFFF6000  }
.LBB2_1:
0x21: {  	p1 =	sge.u32 s12, s8  }
0x22: {  	s14 =	sxor.u32 @!p1 $0xFFFFFFFF, s12  }
0x23: {  	s14 =	sand.u32 @!p1 $0x1, s14  }
0x24: {  	s14 =	smul.u32 @!p1 $0x500, s14  }
0x25: {  	s31 =	sadd.s32 $0xFFFFFFFF, s12;
	s15 =	sshrl.u32 @!p1 s11, $0x3  }
0x26: {  	s16 =	sand.u32 @!p1 $0x7, s11;
	s15 =	sadd.s32 @!p1 s5, s15;
	s14 =	sshrl.u32 @!p1 s14, $0x2  }
0x27: {  	[tilespmem:s14], [sflag:$0x2] =	stream.linear.gather @!p1 [hbm4b:s15+s16], $0x140, $0x38;
	[tilespmem:$0x14280] =	vst v63  }
0x28: {  	p1 =	sge.u32 s31, s8  }
.Ltmp2:
0x29: {  	_ = 	snop;
	(pc) =	sbr.rel @p1 .LBB2_7-.Ltmp2, $1  }
0x2a: {  	_ =	sdelay $0x3  }
0x2b: {  	s14 =	simm.s32 $0x1  }
0x2c: {  	s14 =	simm.s32 @!p0 $0x0  }
0x2d: {  	s15 =	smul.u32 $0x500, s14  }
0x2e: {  	_ =	swait.ge [sflag:s7], $0x140  }
0x2f: {  	[sflag:s7] =	ssyncset.done $0x0;
	s16 =	sshrl.u32 s15, $0x2  }
0x30: {  	[sflag:s7] =	ssyncadd.s32 $0xFFFFFEC0;
	s15 =	sadd.s32 $0x0, s16  }
0x31: {  	v0 =	vld.msk [tilespmem:s15+$0x0 ss:$0x1], $0xffff;
	_ =	sdelay $0x4  }
0x32: {  	vm2 =	vgt.s32 v0, $0x0  }
0x33: {  	v0 =	vnsel vm2, $0x0, v0  }
0x34: {  	v0 =	vmin.u32 v0, $0x1387F  }
0x35: {  	v0 =	vshll.u32 v0, $0x4  }
0x36: {  	s14 =	smul.u32 $0x28000, s14;
	_ =	sdelay $0x1  }
0x37: {  	s14 =	sshrl.u32 s14, $0x2  }
0x38: {  	s14 =	sor.u32 $0x280, s14  }
0x39: {  	[tilespmem:s14], [sflag:$0x1] =	stream.indirect_vreg.gather [hbm:s4], $0x80, v0, vm0, $0x38;
	[tilespmem:$0x14280] =	vst v63  }
0x3a: {  	s17 =	sadd.s32 $0x10, s16;
	s15 =	sadd.s32 $0x400, s14  }
0x3b: {  	[tilespmem:s15], [sflag:$0x1] =	stream.indirect_vreg.gather [hbm:s4], $0x80, v0, vm1, $0x38;
	[tilespmem:$0x14280] =	vst v63  }
0x3c: {  	s18 =	simm.s32 $0x80;
	v0 =	vld.msk [tilespmem:s17+$0x0 ss:$0x1], $0xffff;
	s17 =	smov.u32 s14  }
.LBB2_3:
0x3d: {  	p1 =	sne.s32 s18, $0x4C0;
	_ =	sdelay $0x4  }
0x3e: {  	vm2 =	vgt.s32 v0, $0x0  }
0x3f: {  	v0 =	vnsel vm2, $0x0, v0  }
0x40: {  	v0 =	vmin.u32 v0, $0x1387F  }
0x41: {  	v0 =	vshll.u32 v0, $0x4;
	_ =	sdelay $0x3  }
.Ltmp3:
0x42: {  	s19 =	sshra.s32 s18, $0x2;
	s17 =	sadd.s32 $0x800, s17;
	(pc) =	sbr.rel @p1 .LBB2_3-.Ltmp3, $4  }
0x43: {  	[tilespmem:s17], [sflag:$0x1] =	stream.indirect_vreg.gather [hbm:s4], $0x80, v0, vm0, $0x38;
	[tilespmem:$0x14280] =	vst v63  }
0x44: {  	s19 =	sadd.s32 s19, s16;
	s20 =	sadd.s32 $0x400, s17  }
0x45: {  	[tilespmem:s20], [sflag:$0x1] =	stream.indirect_vreg.gather [hbm:s4], $0x80, v0, vm1, $0x38;
	[tilespmem:$0x14280] =	vst v63  }
0x46: {  	s18 =	sadd.s32 $0x40, s18;
	v0 =	vld.msk [tilespmem:s19+$0x0 ss:$0x1], $0xffff  }
0x47: {  	_ =	sdelay $0x3  }
0x48: {  	vm2 =	vgt.s32 v0, $0x0  }
0x49: {  	v0 =	vnsel vm2, $0x0, v0  }
0x4a: {  	v0 =	vmin.u32 v0, $0x1387F  }
0x4b: {  	v0 =	vshll.u32 v0, $0x4;
	_ =	sdelay $0x3  }
0x4c: {  	s16 =	sadd.s32 $0x800, s17  }
0x4d: {  	[tilespmem:s16], [sflag:$0x1] =	stream.indirect_vreg.gather [hbm:s4], $0x80, v0, vm0, $0x38;
	[tilespmem:$0x14280] =	vst v63  }
0x4e: {  	s16 =	sadd.s32 $0x400, s16  }
0x4f: {  	[tilespmem:s16], [sflag:$0x1] =	stream.indirect_vreg.gather [hbm:s4], $0x80, v0, vm1, $0x38;
	[tilespmem:$0x14280] =	vst v63  }
0x50: {  	s13 =	sshll.u32 s13, $0x4;
	_ =	swait.ge [sflag:s6], $0xA000  }
0x51: {  	s13 =	sadd.s32 s13, s9;
	[sflag:s6] =	ssyncset.done $0x0  }
0x52: {  	s17 =	sadd.s32 $0x0, s13;
	s16 =	simm.s32 $0x80;
	[sflag:s6] =	ssyncadd.s32 $0xFFFF6000  }
.LBB2_5:
0x53: {  	[hbm:s17] =	stream.linear.scatter [tilespmem:s14], [sflag:$0x3], $0x400, $0x38;
	[tilespmem:$0x14280] =	vst v63  }
0x54: {  	s17 =	smov.u32 s16;
	s14 =	smov.u32 s15;
	p1 =	sne.s32 s16, $0x1380  }
.Ltmp4:
0x55: {  	s16 =	sadd.s32 $0x80, s16;
	(pc) =	sbr.rel @p1 .LBB2_5-.Ltmp4, $2  }
0x56: {  	_ =	sdelay $0x2  }
0x57: {  	s15 =	sadd.s32 $0x400, s15;
	s17 =	sadd.s32 s17, s13  }
.Ltmp5:
0x58: {  	_ = 	snop;
	(pc) =	sbr.rel .LBB2_6-.Ltmp5, $1  }
0x59: {  	_ =	sdelay $0x3  }
.LBB2_8:
0x5a: {  	_ =	sfence.sel $0x180000  }
0x5b: {  	s2 =	simm.s32 $0x2;
	[bflag:$0x0] =	sbarrier.arrive $0xFFFF  }
0x5c: {  	s30 =	simm.s32 $0x3;
	[sflag:s2] =	ssyncpa.u1 $0x1  }
0x5d: {  	s31 =	simm.s32 $0x1;
	[sflag:s30] =	ssyncpa.u1 $0x1  }
0x5e: {  	[sflag:s31] =	ssyncpa.u1 $0x1  }
0x5f: {  	p0 =	sne.s32 s0, $0x0;
	_ =	strace $0x90000050  }
0x60: {  	s0 =	sadd.s32 @!p0 $0x100000, s1;
	[bflag:$0x2] =	sbarrier.arrive $0xFFFF  }
0x61: {  	[sflag:s0] =	ssyncadd.tile.s32 @!p0 $0x1;
	_ =	shalt  }
.Lfunc_end2:
_tile_overlayer_lowered:
.L_overlay_start_2:
0x62: {  	(tag) =	ssettag $0x2  }
0x63: {  	s0 =	rddreg [dreg:$0x0];
	s2 =	stileid.u32  }
0x64: {  	s1 =	rddreg [dreg:$0x1];
	p0 =	sne.s32 s2, $0x0  }
0x65: {  	s3 =	rddreg [dreg:$0x2];
	[bflag:$0x3] =	sbarrier.arrive $0xFFFF;
	s2 =	simm.s32 @!p0 $0x1C01  }
0x66: {  	[timem:s3], [sflag:s2] =	dma.local @!p0 [hbm:s0], s1  }
0x67: {  	s0 =	simm.s32 @!p0 $0x1  }
0x68: {  	_ =	swait.ge @!p0 [sflag:s0], s1  }
0x69: {  	s1 =	ssub.s32 @!p0 $0x0, s1;
	[sflag:s0] =	ssyncset.done @!p0 $0x0  }
0x6a: {  	[sflag:s0] =	ssyncadd.s32 @!p0 s1  }
0x6b: {  	[bflag:$0x3] =	sbarrier.arrive $0xFFFF  }
0x6c: {  	_ =	shalt  }

// kernel: gather_offload_async_start.4
scs
__scs_entry_jumppad:
0x0: {  	(pc) =	sbr.rel $0x88, $3  }
0x1: {  	(tag) =	ssettag $0x0;
	lr =	simm.s32 $0x1  }
0x2: {  	[smem:$0x3F8D] =	sst lr;
	_ =	strace $0xD0000000  }
0x3: {  	_ = 	snop  }
0x4: {  	_ = 	snop  }
0x5: {  	_ = 	snop  }
0x6: {  	_ = 	snop  }
0x7: {  	_ = 	snop  }
__scs_overlays_trampoline_lowered:
0x8: {  	[smem:$0x3F9C] =	sst s0  }
0x9: {  	[smem:$0x3F9D] =	sst s1  }
0xa: {  	[smem:$0x3F9E] =	sst s2  }
0xb: {  	[smem:$0x3F9F] =	sst s3  }
0xc: {  	[smem:$0x3FA0] =	sst s4  }
0xd: {  	[smem:$0x3FA1] =	sst s5  }
0xe: {  	[smem:$0x3FA2] =	sst s6  }
0xf: {  	[smem:$0x3FA3] =	sst s7  }
0x10: {  	[smem:$0x3FA4] =	sst s8  }
0x11: {  	[smem:$0x3FA5] =	sst s9;
	s0 =	simm.s32 @!p0 $0x0  }
0x12: {  	s1 =	sld [smem:$0x3F8B];
	s0 =	simm.s32 @p0 $0x1  }
0x13: {  	[smem:$0x3FA6] =	sst s0;
	s0 =	simm.s32 @!p1 $0x0  }
0x14: {  	s2 =	sld [smem:$0x3F8A];
	s0 =	simm.s32 @p1 $0x1  }
0x15: {  	[smem:$0x3FA7] =	sst s0;
	s0 =	simm.s32 @!p2 $0x0  }
0x16: {  	s3 =	sld [smem:$0x3FDB];
	s0 =	simm.s32 @p2 $0x1  }
0x17: {  	s4 =	simm.s32 $0x1BF5;
	[smem:$0x3FA9] =	sst s0  }
0x18: {  	s0 =	sld [smem:$0x3F8C];
	_ =	swait.ge [sflag:s4], $0x0  }
0x19: {  	s7 =	sld [smem:$0x3F8D]  }
0x1a: {  	s8 =	sadd.s32 $0xFFFFE003, lr  }
0x1b: {  	s9 =	sadd.s32 $0xFFFFFEF7, lr;
	s5 =	simm.s32 $0xFFFFFFFF;
	p2 =	slt.u32 s8, $0xFFFFF086  }
0x1c: {  	p1 =	slt.u32 s9, $0xF7A;
	s5 =	simm.s32 @!p2 $0x0  }
0x1d: {  	s5 =	simm.s32 @p1 $0x1;
	p0 =	seq.s32 s7, s2  }
0x1e: {  	s7 =	smul.u32 @!p0 $0xF7A, s2;
	p2 =	seq.s32 @!p0 s5, $0x0  }
0x1f: {  	s9 =	smul.u32 $0xF7A, s1;
	s8 =	simm.s32 @!p0 $0x1BF5;
	p2 =	por !p2, p0  }
0x20: {  	[sflag:s8] =	ssyncset.s32 @!p0 $0xFFFFF086;
	s6 =	sadd.s32 @!p0 s3, s7;
	s7 =	simm.s32 @!p0 $0x108  }
0x21: {  	s3 =	sadd.s32 s3, s9;
	s6 =	sadd.s32 @!p0 $0x88, s6;
	s7 =	simm.s32 @p2 $0x1082  }
0x22: {  	[simem:s7], [sflag:s8] =	dma.local @!p0 [hbm:s6], $0xF7A  }
0x23: {  	s9 =	sor.u32 $0xD0000000, s2;
	s6 =	simm.s32 $0x108;
	_ =	swait.ge @!p0 [sflag:s8], $0x0  }
0x24: {  	s3 =	sadd.s32 $0x88, s3;
	s6 =	simm.s32 @!p1 $0x1082;
	[sflag:s4] =	ssyncset.s32 $0xFFFFF086  }
0x25: {  	[simem:s6], [sflag:s4] =	dma.local [hbm:s3], $0xF7A  }
0x26: {  	[smem:$0x3F8D] =	sst s1;
	(tag) =	ssettag s2;
	_ =	strace s9  }
0x27: {  	s1 =	sld [smem:$0x3F9D]  }
0x28: {  	s2 =	sld [smem:$0x3F9E]  }
0x29: {  	s4 =	sld [smem:$0x3FA0]  }
0x2a: {  	p0 =	seq.s32 s5, $0x0;
	s5 =	sld [smem:$0x3FA1]  }
0x2b: {  	s6 =	sld [smem:$0x3FA2]  }
0x2c: {  	s7 =	sld [smem:$0x3FA3]  }
0x2d: {  	s3 =	simm.s32 $0x108;
	s8 =	sld [smem:$0x3FA4]  }
0x2e: {  	s3 =	simm.s32 @!p0 $0x1082;
	s9 =	sld [smem:$0x3FA5]  }
0x2f: {  	lr =	sadd.s32 s0, s3;
	s0 =	sld [smem:$0x3F9C]  }
0x30: {  	s3 =	sld [smem:$0x3F9F]  }
0x31: {  	[smem:$0x3FA8] =	sst s10  }
0x32: {  	s10 =	sld [smem:$0x3FA6];
	_ =	sdelay $0x3  }
0x33: {  	p0 =	seq.s32 s10, $0x1;
	s10 =	sld [smem:$0x3FA8];
	_ =	sdelay $0x3  }
0x34: {  	[smem:$0x3FA8] =	sst s10  }
0x35: {  	s10 =	sld [smem:$0x3FA7];
	_ =	sdelay $0x3  }
0x36: {  	p1 =	seq.s32 s10, $0x1;
	s10 =	sld [smem:$0x3FA8];
	_ =	sdelay $0x3  }
0x37: {  	[smem:$0x3FA8] =	sst s10  }
0x38: {  	s10 =	sld [smem:$0x3FA9]  }
0x39: {  	_ = 	snop;
	(pc) =	sbr.ind lr, $3  }
0x3a: {  	_ = 	snop  }
0x3b: {  	_ = 	snop  }
0x3c: {  	p2 =	seq.s32 s10, $0x1;
	s10 =	sld [smem:$0x3FA8]  }
0x3d: {  	_ =	shalt  }
0x3e: {  	_ =	shalt  }
0x3f: {  	_ =	shalt  }
0x40: {  	_ =	shalt  }
0x41: {  	_ =	shalt  }
0x42: {  	_ =	shalt  }
0x43: {  	_ =	shalt  }
0x44: {  	_ =	shalt  }
0x45: {  	_ =	shalt  }
0x46: {  	_ =	shalt  }
0x47: {  	_ =	shalt  }
0x48: {  	_ =	shalt  }
0x49: {  	_ =	shalt  }
0x4a: {  	_ =	shalt  }
0x4b: {  	_ =	shalt  }
0x4c: {  	_ =	shalt  }
0x4d: {  	_ =	shalt  }
0x4e: {  	_ =	shalt  }
0x4f: {  	_ =	shalt  }
0x50: {  	_ =	shalt  }
0x51: {  	_ =	shalt  }
0x52: {  	_ =	shalt  }
0x53: {  	_ =	shalt  }
0x54: {  	_ =	shalt  }
0x55: {  	_ =	shalt  }
0x56: {  	_ =	shalt  }
0x57: {  	_ =	shalt  }
0x58: {  	_ =	shalt  }
0x59: {  	_ =	shalt  }
0x5a: {  	_ =	shalt  }
0x5b: {  	_ =	shalt  }
0x5c: {  	_ =	shalt  }
0x5d: {  	_ =	shalt  }
0x5e: {  	_ =	shalt  }
0x5f: {  	_ =	shalt  }
0x60: {  	_ =	shalt  }
0x61: {  	_ =	shalt  }
0x62: {  	_ =	shalt  }
0x63: {  	_ =	shalt  }
0x64: {  	_ =	shalt  }
0x65: {  	_ =	shalt  }
0x66: {  	_ =	shalt  }
0x67: {  	_ =	shalt  }
0x68: {  	_ =	shalt  }
0x69: {  	_ =	shalt  }
0x6a: {  	_ =	shalt  }
0x6b: {  	_ =	shalt  }
0x6c: {  	_ =	shalt  }
0x6d: {  	_ =	shalt  }
0x6e: {  	_ =	shalt  }
0x6f: {  	_ =	shalt  }
0x70: {  	_ =	shalt  }
0x71: {  	_ =	shalt  }
0x72: {  	_ =	shalt  }
0x73: {  	_ =	shalt  }
0x74: {  	_ =	shalt  }
0x75: {  	_ =	shalt  }
0x76: {  	_ =	shalt  }
0x77: {  	_ =	shalt  }
0x78: {  	_ =	shalt  }
0x79: {  	_ =	shalt  }
0x7a: {  	_ =	shalt  }
0x7b: {  	_ =	shalt  }
0x7c: {  	_ =	shalt  }
0x7d: {  	_ =	shalt  }
0x7e: {  	_ =	shalt  }
0x7f: {  	_ =	shalt  }
0x80: {  	_ =	shalt  }
0x81: {  	_ =	shalt  }
0x82: {  	_ =	shalt  }
0x83: {  	_ =	shalt  }
0x84: {  	_ =	shalt  }
0x85: {  	_ =	shalt  }
0x86: {  	_ =	shalt  }
0x87: {  	_ =	shalt  }
.Lfunc_end0:
.L_simem_size_0:
called_computation.5_lowered:
.L_overlay_start_0:
0x88: {  	s2 =	sld [smem:$0x3FD9]  }
0x89: {  	s3 =	sld [smem:$0x3FFE];
	_ =	sdelay $0x1  }
0x8a: {  	s1 =	srdreg.scid  }
0x8b: {  	s0 =	sand.u32 $0x1, s1  }
0x8c: {  	s16 =	sshll.u32 s0, $0xA;
	s2 =	sadd.s32 s3, s2  }
0x8d: {  	s2 =	sadd.s32 s2, s16  }
0x8e: {  	[smem:$0x3FB4] =	sst s2  }
0x8f: {  	_ = 	snop  }
0x90: {  	(tm) =	ssettm $0x1  }
0x91: {  	s17 =	sld [smem:$0x3FFB];
	_ =	sdelay $0x3  }
0x92: {  	_ =	strace s17  }
0x93: {  	s2 =	sld [smem:$0x3FFC];
	_ =	sdelay $0x3  }
0x94: {  	_ =	strace s2  }
0x95: {  	s2 =	sld [smem:$0x3FFD];
	_ =	sdelay $0x3  }
0x96: {  	_ =	strace s2  }
0x97: {  	_ =	strace $0x8FFFFFFF  }
0x98: {  	s18 =	sld [smem:$0x3FDB];
	_ =	sdelay $0x1  }
0x99: {  	s19 =	simm.s32 $_scs_section_size  }
0x9a: {  	s4 =	simm.s32 $_size__tile_overlayer_lowered;
	s5 =	simm.s32 $_tile_overlayer_lowered  }
0x9b: {  	s22 =	simm.s32 $0x1BFF;
	s21 =	sshll.u32 s5, $0x1;
	s2 =	sadd.s32 s19, s18  }
0x9c: {  	s6 =	simm.s32 $0x0;
	s20 =	sshll.u32 s4, $0x1;
	s4 =	sadd.s32 s21, s2  }
0x9d: {  	[timem:s6], [sflag:s22] =	dma.local [hbm:s4], s20  }
0x9e: {  	_ =	swait.ge [sflag:s22], s20  }
0x9f: {  	s3 =	ssub.s32 $0x0, s20;
	[sflag:s22] =	ssyncset.done $0x0  }
0xa0: {  	[sflag:s22] =	ssyncadd.s32 s3;
	_ =	sdelay $0x1  }
0xa1: {  	s23 =	simm.s32 $0x1B8B  }
0xa2: {  	_ =	swait.ge [sflag:s23], $0x1  }
0xa3: {  	[sflag:s23] =	ssyncset.done $0x0  }
0xa4: {  	s25 =	simm.s32 $0x1B8E;
	s24 =	sld [smem:$0x3FFE];
	[sflag:s23] =	ssyncadd.s32 $0xFFFFFFFF  }
0xa5: {  	s26 =	simm.s32 $execute0_lowered;
	[smem:$0x3FD2] =	sst s25  }
0xa6: {  	s4 =	sshll.u32 s26, $0x1;
	_ =	strace $0x8000004C;
	[dreg:$0x1] =	wrdreg $0xFFFFFFFF  }
0xa7: {  	s28 =	simm.s32 $_size_execute0_lowered;
	s2 =	sadd.s32 s2, s4;
	[dreg:$0x0] =	wrdreg $0x0  }
0xa8: {  	s4 =	sshll.u32 s28, $0x1;
	[dreg:$0x2] =	wrdreg s2  }
0xa9: {  	[dreg:$0x3] =	wrdreg s4  }
0xaa: {  	[dreg:$0x4] =	wrdreg $0xC0  }
0xab: {  	_ =	task [dreg:s6], $0x5FFFF  }
0xac: {  	[dreg:$0x1] =	wrdreg $0xFFFFFFFF  }
0xad: {  	[dreg:$0x0] =	wrdreg $0x60  }
0xae: {  	[dreg:$0x2] =	wrdreg s24  }
0xaf: {  	[dreg:$0x3] =	wrdreg $0xC  }
0xb0: {  	_ =	task.clear_ibuf [dreg:s6], $0x4FFFF;
	_ =	strace $0x9000004C  }
0xb1: {  	s29 =	simm.s32 $0xC;
	_ =	strace $0x8000004E  }
0xb2: {  	_ =	swait.ge [sflag:s29], $0x1  }
0xb3: {  	[sflag:s29] =	ssyncadd.s32 $0xFFFFFFFF  }
0xb4: {  	_ =	strace $0x9000004E  }
0xb5: {  	_ =	sfence  }
0xb6: {  	s30 =	sld [smem:$0x0];
	_ =	sdelay $0x2  }
0xb7: {  	s31 =	sshll.u32 s1, $0xD;
	s1 =	sshrl.u32 s1, $0x2  }
0xb8: {  	s3 =	sand.u32 $0x4000, s31;
	s1 =	sadd.s32 s1, s30  }
0xb9: {  	s0 =	sor.u32 s3, s0;
	s1 =	sshll.u32 s1, $0x11  }
0xba: {  	s0 =	sor.u32 s1, s0  }
0xbb: {  	s0 =	sadd.s32 $0x8F2B, s0  }
0xbc: {  	[sflag:s0] =	ssyncadd.remote.s32 $0x1  }
0xbd: {  	_ =	sfence.sel $0xFFFF  }
0xbe: {  	[dreg:$0x0] =	wrdreg $0xFFFFFFFF;
	(pc) =	sbr.abs _section_cstart, $3  }
0xbf: {  	[dreg:$0x1] =	wrdreg $0xFFFFFFFF  }
0xc0: {  	_ =	task.clear_ibuf [dreg:s6], $0x2FFFF;
	_ =	strace $0x9FFFFFFF  }
0xc1: {  	(tm) =	ssettm $0x7FFFFFFF  }
tec
execute0_lowered:
.L_overlay_start_1:
0x0: {  	(tag) =	ssettag $0x1  }
0x1: {  	s8 =	rddreg [dreg:$0x0]  }
0x2: {  	s0 =	rddreg [dreg:$0x1];
	_ =	strace $0x8000004D;
	s1 =	stileid.u32  }
0x3: {  	s3 =	srdreg.scid;
	s4 =	simm.s32 $0x1;
	s7 =	simm.s32 $0x1  }
0x4: {  	s9 =	simm.s32 $0x1;
	s10 =	simm.s32 $0x3;
	s13 =	simm.s32 $0x0  }
0x5: {  	s12 =	simm.s32 $0x0;
	s5 =	sand.u32 $0x1, s3;
	s6 =	sshll.u32 s1, $0x1  }
0x6: {  	s2 =	sadd.s32 $0x2C00, s8;
	s3 =	sadd.s32 $0xAA00, s8;
	s5 =	sor.u32 s6, s5  }
.Ltmp0:
0x7: {  	[sflag:s4] =	ssyncpa.u1 $0x0;
	p0 =	slt.u32 s5, $0x9;
	(pc) =	sbr.rel .LBB2_1-.Ltmp0, $4  }
0x8: {  	s6 =	simm.s32 $0x2;
	s7 =	simm.s32 @!p0 $0x0;
	p0 =	sne.s32 s5, $0x8  }
0x9: {  	[sflag:s6] =	ssyncpa.u1 $0x0;
	s5 =	smul.u32 $0x7D0, s5;
	s9 =	simm.s32 @!p0 $0x0  }
0xa: {  	s8 =	sadd.s32 $0xD200, s8;
	[sflag:s10] =	ssyncpa.u1 $0x0;
	s7 =	sadd.s32 s9, s7  }
0xb: {  	vm0 =	vmmov $0xffff;
	s10 =	simm.s32 $0x0;
	s11 =	smov.u32 s5;
	s9 =	sadd.s32 $0x1, s7  }
.LBB2_4:
0xc: {  	v2 =	vnsel vm1, $0x0, v2  }
0xd: {  	vm1 =	vgt.s32 v0, $0x0;
	v2 =	vmin.u32 v2, $0x1387F  }
0xe: {  	v0 =	vnsel vm1, $0x0, v0  }
0xf: {  	v0 =	vmin.u32 v0, $0x1387F  }
0x10: {  	[tilespmem:s18], [sflag:$0x1] =	stream.indirect_vreg.gather [hbm4b:s2+s10], $0x1, v1, vm0, $0x4038;
	[tilespmem:$0x1F40] =	vst v63  }
0x11: {  	(ifvalue) =	ssetifvalue $0x7FFFFFFF  }
0x12: {  	[tilespmem:s15], [sflag:$0x1] =	stream.indirect_vreg.gather [hbm4b:s2+s10], $0x1, v2, vm0, $0x4038;
	[tilespmem:$0x1F40] =	vst v63  }
0x13: {  	s29 =	sadd.s32 $0x10, s15;
	(ifvalue) =	ssetifvalue $0x7FFFFFFF  }
0x14: {  	[tilespmem:s29], [sflag:$0x1] =	stream.indirect_vreg.gather [hbm4b:s2+s10], $0x1, v0, vm0, $0x4038;
	[tilespmem:$0x1F40] =	vst v63  }
0x15: {  	_ =	swait.ge [sflag:s4], $0x7D0  }
0x16: {  	s30 =	sshrl.u32 s13, $0x3;
	[sflag:s4] =	ssyncset.done $0x0  }
0x17: {  	s31 =	sand.u32 $0x7, s13;
	s15 =	sadd.s32 s8, s30;
	[sflag:s4] =	ssyncadd.s32 $0xFFFFF830  }
0x18: {  	[hbm4b:s15+s31] =	stream.linear.scatter [tilespmem:s14], [sflag:$0x3], $0x7D0, $0x38;
	[tilespmem:$0x1F40] =	vst v63  }
.LBB2_5:
0x19: {  	s15 =	sadd.s32 $0xFA00, s11  }
0x1a: {  	p1 =	sgt.s32 s15, $0x1387F  }
0x1b: {  	s15 =	smov.u32 @p1 s5;
	p1 =	sne.s32 s12, s9  }
.Ltmp1:
0x1c: {  	p0 =	slt.u32 s12, $0x2;
	(pc) =	sbr.rel @!p1 .LBB2_6-.Ltmp1, $4  }
0x1d: {  	s14 =	simm.s32 @!p0 $0x3  }
0x1e: {  	_ =	swait.ge @!p0 [sflag:s14], $0x7D0  }
0x1f: {  	s16 =	sadd.s32 $0x1, s12;
	s13 =	smov.u32 s11;
	[sflag:s14] =	ssyncset.done @!p0 $0x0  }
0x20: {  	s12 =	smov.u32 s16;
	s11 =	smov.u32 s15;
	[sflag:s14] =	ssyncadd.s32 @!p0 $0xFFFFF830  }
.LBB2_1:
0x21: {  	p0 =	sge.u32 s12, s7  }
0x22: {  	s14 =	sxor.u32 @!p0 $0x1, s12  }
0x23: {  	s14 =	smul.u32 @!p0 $0x1F40, s14  }
0x24: {  	s31 =	sadd.s32 $0xFFFFFFFF, s12;
	s15 =	sshrl.u32 @!p0 s11, $0x3  }
0x25: {  	s16 =	sand.u32 @!p0 $0x7, s11;
	s15 =	sadd.s32 @!p0 s3, s15;
	s14 =	sshra.s32 @!p0 s14, $0x2  }
0x26: {  	[tilespmem:s14], [sflag:$0x2] =	stream.linear.gather @!p0 [hbm4b:s15+s16], $0x7D0, $0x38;
	[tilespmem:$0x1F40] =	vst v63  }
0x27: {  	p0 =	sge.u32 s31, s7  }
.Ltmp2:
0x28: {  	_ = 	snop;
	(pc) =	sbr.rel @p0 .LBB2_5-.Ltmp2, $1  }
0x29: {  	_ =	sdelay $0x3  }
0x2a: {  	s14 =	sand.u32 $0x1, s12  }
0x2b: {  	_ =	swait.ge [sflag:s6], $0x7D0;
	p0 =	seq.s32 s14, $0x1;
	s14 =	simm.s32 $0x7D0  }
0x2c: {  	[sflag:s6] =	ssyncset.done $0x0;
	s14 =	simm.s32 @!p0 $0x0  }
0x2d: {  	[sflag:s6] =	ssyncadd.s32 $0xFFFFF830;
	(ifvalue) =	ssetifvalue $0x7FFFFFFF;
	v0 =	vld.msk [tilespmem:s14+$0x0 ss:$0x1], $0xffff;
	_ =	sdelay $0x4  }
0x2e: {  	s15 =	sadd.s32 $0x10, s14;
	vm1 =	vgt.s32 v0, $0x0  }
0x2f: {  	v2 =	vld.msk [tilespmem:s15+$0x0 ss:$0x1], $0xffff;
	v1 =	vnsel vm1, $0x0, v0  }
0x30: {  	v1 =	vmin.u32 v1, $0x1387F;
	_ =	sdelay $0x2  }
0x31: {  	s17 =	simm.s32 $0x20;
	s14 =	sadd.s32 $0xFA0, s14;
	s16 =	sadd.s32 $0x10, s15  }
0x32: {  	s15 =	sadd.s32 $0x10, s14;
	s18 =	smov.u32 s14;
	v0 =	vld.msk [tilespmem:s16+$0x0 ss:$0x1], $0xffff;
	vm1 =	vgt.s32 v2, $0x0;
	(ifvalue) =	ssetifvalue $0x7FFFFFFF  }
.LBB2_3:
0x33: {  	[tilespmem:s18], [sflag:$0x1] =	stream.indirect_vreg.gather [hbm4b:s2+s10], $0x1, v1, vm0, $0x4038;
	[tilespmem:$0x1F40] =	vst v63  }
0x34: {  	s17 =	sadd.s32 $0x10, s17  }
0x35: {  	v2 =	vnsel vm1, $0x0, v2;
	p0 =	slt.u32 s17, $0x7C0  }
.Ltmp3:
0x36: {  	s18 =	smov.u32 s15;
	v1 =	vmin.u32 v2, $0x1387F;
	(pc) =	sbr.rel @p0 .LBB2_3-.Ltmp3, $3  }
0x37: {  	_ =	sdelay $0x1  }
0x38: {  	s16 =	sadd.s32 $0x10, s16  }
0x39: {  	vm1 =	vgt.s32 v0, $0x0;
	s15 =	sadd.s32 $0x10, s15;
	v2 =	vmov v0;
	(ifvalue) =	ssetifvalue $0x7FFFFFFF;
	v0 =	vld.msk [tilespmem:s16+$0x0 ss:$0x1], $0xffff  }
.Ltmp4:
0x3a: {  	_ = 	snop;
	(pc) =	sbr.rel .LBB2_4-.Ltmp4, $1  }
0x3b: {  	_ =	sdelay $0x3  }
.LBB2_6:
0x3c: {  	_ =	sfence.sel $0x180000  }
0x3d: {  	s2 =	simm.s32 $0x2;
	[bflag:$0x0] =	sbarrier.arrive $0xFFFF  }
0x3e: {  	s30 =	simm.s32 $0x3;
	[sflag:s2] =	ssyncpa.u1 $0x1  }
0x3f: {  	s31 =	simm.s32 $0x1;
	[sflag:s30] =	ssyncpa.u1 $0x1  }
0x40: {  	[sflag:s31] =	ssyncpa.u1 $0x1  }
0x41: {  	p0 =	sne.s32 s1, $0x0;
	_ =	strace $0x9000004D  }
0x42: {  	s0 =	sadd.s32 @!p0 $0x100000, s0;
	[bflag:$0x2] =	sbarrier.arrive $0xFFFF  }
0x43: {  	[sflag:s0] =	ssyncadd.tile.s32 @!p0 $0x1;
	_ =	shalt  }
.Lfunc_end2:
_tile_overlayer_lowered:
.L_overlay_start_2:
0x44: {  	(tag) =	ssettag $0x2  }
0x45: {  	s0 =	rddreg [dreg:$0x0];
	s2 =	stileid.u32  }
0x46: {  	s1 =	rddreg [dreg:$0x1];
	p0 =	sne.s32 s2, $0x0  }
0x47: {  	s3 =	rddreg [dreg:$0x2];
	[bflag:$0x3] =	sbarrier.arrive $0xFFFF;
	s2 =	simm.s32 @!p0 $0x1C01  }
0x48: {  	[timem:s3], [sflag:s2] =	dma.local @!p0 [hbm:s0], s1  }
0x49: {  	s0 =	simm.s32 @!p0 $0x1  }
0x4a: {  	_ =	swait.ge @!p0 [sflag:s0], s1  }
0x4b: {  	s1 =	ssub.s32 @!p0 $0x0, s1;
	[sflag:s0] =	ssyncset.done @!p0 $0x0  }
0x4c: {  	[sflag:s0] =	ssyncadd.s32 @!p0 s1  }
0x4d: {  	[bflag:$0x3] =	sbarrier.arrive $0xFFFF  }
0x4e: {  	_ =	shalt  }

// kernel: gather_offload_async_start
scs
__scs_entry_jumppad:
0x0: {  	(pc) =	sbr.rel $0x88, $3  }
0x1: {  	(tag) =	ssettag $0x0;
	lr =	simm.s32 $0x1  }
0x2: {  	[smem:$0x3F8D] =	sst lr;
	_ =	strace $0xD0000000  }
0x3: {  	_ = 	snop  }
0x4: {  	_ = 	snop  }
0x5: {  	_ = 	snop  }
0x6: {  	_ = 	snop  }
0x7: {  	_ = 	snop  }
__scs_overlays_trampoline_lowered:
0x8: {  	[smem:$0x3F9C] =	sst s0  }
0x9: {  	[smem:$0x3F9D] =	sst s1  }
0xa: {  	[smem:$0x3F9E] =	sst s2  }
0xb: {  	[smem:$0x3F9F] =	sst s3  }
0xc: {  	[smem:$0x3FA0] =	sst s4  }
0xd: {  	[smem:$0x3FA1] =	sst s5  }
0xe: {  	[smem:$0x3FA2] =	sst s6  }
0xf: {  	[smem:$0x3FA3] =	sst s7  }
0x10: {  	[smem:$0x3FA4] =	sst s8  }
0x11: {  	[smem:$0x3FA5] =	sst s9;
	s0 =	simm.s32 @!p0 $0x0  }
0x12: {  	s1 =	sld [smem:$0x3F8B];
	s0 =	simm.s32 @p0 $0x1  }
0x13: {  	[smem:$0x3FA6] =	sst s0;
	s0 =	simm.s32 @!p1 $0x0  }
0x14: {  	s2 =	sld [smem:$0x3F8A];
	s0 =	simm.s32 @p1 $0x1  }
0x15: {  	[smem:$0x3FA7] =	sst s0;
	s0 =	simm.s32 @!p2 $0x0  }
0x16: {  	s3 =	sld [smem:$0x3FDB];
	s0 =	simm.s32 @p2 $0x1  }
0x17: {  	s4 =	simm.s32 $0x1BF5;
	[smem:$0x3FA9] =	sst s0  }
0x18: {  	s0 =	sld [smem:$0x3F8C];
	_ =	swait.ge [sflag:s4], $0x0  }
0x19: {  	s7 =	sld [smem:$0x3F8D]  }
0x1a: {  	s8 =	sadd.s32 $0xFFFFE003, lr  }
0x1b: {  	s9 =	sadd.s32 $0xFFFFFEF7, lr;
	s5 =	simm.s32 $0xFFFFFFFF;
	p2 =	slt.u32 s8, $0xFFFFF086  }
0x1c: {  	p1 =	slt.u32 s9, $0xF7A;
	s5 =	simm.s32 @!p2 $0x0  }
0x1d: {  	s5 =	simm.s32 @p1 $0x1;
	p0 =	seq.s32 s7, s2  }
0x1e: {  	s7 =	smul.u32 @!p0 $0xF7A, s2;
	p2 =	seq.s32 @!p0 s5, $0x0  }
0x1f: {  	s9 =	smul.u32 $0xF7A, s1;
	s8 =	simm.s32 @!p0 $0x1BF5;
	p2 =	por !p2, p0  }
0x20: {  	[sflag:s8] =	ssyncset.s32 @!p0 $0xFFFFF086;
	s6 =	sadd.s32 @!p0 s3, s7;
	s7 =	simm.s32 @!p0 $0x108  }
0x21: {  	s3 =	sadd.s32 s3, s9;
	s6 =	sadd.s32 @!p0 $0x88, s6;
	s7 =	simm.s32 @p2 $0x1082  }
0x22: {  	[simem:s7], [sflag:s8] =	dma.local @!p0 [hbm:s6], $0xF7A  }
0x23: {  	s9 =	sor.u32 $0xD0000000, s2;
	s6 =	simm.s32 $0x108;
	_ =	swait.ge @!p0 [sflag:s8], $0x0  }
0x24: {  	s3 =	sadd.s32 $0x88, s3;
	s6 =	simm.s32 @!p1 $0x1082;
	[sflag:s4] =	ssyncset.s32 $0xFFFFF086  }
0x25: {  	[simem:s6], [sflag:s4] =	dma.local [hbm:s3], $0xF7A  }
0x26: {  	[smem:$0x3F8D] =	sst s1;
	(tag) =	ssettag s2;
	_ =	strace s9  }
0x27: {  	s1 =	sld [smem:$0x3F9D]  }
0x28: {  	s2 =	sld [smem:$0x3F9E]  }
0x29: {  	s4 =	sld [smem:$0x3FA0]  }
0x2a: {  	p0 =	seq.s32 s5, $0x0;
	s5 =	sld [smem:$0x3FA1]  }
0x2b: {  	s6 =	sld [smem:$0x3FA2]  }
0x2c: {  	s7 =	sld [smem:$0x3FA3]  }
0x2d: {  	s3 =	simm.s32 $0x108;
	s8 =	sld [smem:$0x3FA4]  }
0x2e: {  	s3 =	simm.s32 @!p0 $0x1082;
	s9 =	sld [smem:$0x3FA5]  }
0x2f: {  	lr =	sadd.s32 s0, s3;
	s0 =	sld [smem:$0x3F9C]  }
0x30: {  	s3 =	sld [smem:$0x3F9F]  }
0x31: {  	[smem:$0x3FA8] =	sst s10  }
0x32: {  	s10 =	sld [smem:$0x3FA6];
	_ =	sdelay $0x3  }
0x33: {  	p0 =	seq.s32 s10, $0x1;
	s10 =	sld [smem:$0x3FA8];
	_ =	sdelay $0x3  }
0x34: {  	[smem:$0x3FA8] =	sst s10  }
0x35: {  	s10 =	sld [smem:$0x3FA7];
	_ =	sdelay $0x3  }
0x36: {  	p1 =	seq.s32 s10, $0x1;
	s10 =	sld [smem:$0x3FA8];
	_ =	sdelay $0x3  }
0x37: {  	[smem:$0x3FA8] =	sst s10  }
0x38: {  	s10 =	sld [smem:$0x3FA9]  }
0x39: {  	_ = 	snop;
	(pc) =	sbr.ind lr, $3  }
0x3a: {  	_ = 	snop  }
0x3b: {  	_ = 	snop  }
0x3c: {  	p2 =	seq.s32 s10, $0x1;
	s10 =	sld [smem:$0x3FA8]  }
0x3d: {  	_ =	shalt  }
0x3e: {  	_ =	shalt  }
0x3f: {  	_ =	shalt  }
0x40: {  	_ =	shalt  }
0x41: {  	_ =	shalt  }
0x42: {  	_ =	shalt  }
0x43: {  	_ =	shalt  }
0x44: {  	_ =	shalt  }
0x45: {  	_ =	shalt  }
0x46: {  	_ =	shalt  }
0x47: {  	_ =	shalt  }
0x48: {  	_ =	shalt  }
0x49: {  	_ =	shalt  }
0x4a: {  	_ =	shalt  }
0x4b: {  	_ =	shalt  }
0x4c: {  	_ =	shalt  }
0x4d: {  	_ =	shalt  }
0x4e: {  	_ =	shalt  }
0x4f: {  	_ =	shalt  }
0x50: {  	_ =	shalt  }
0x51: {  	_ =	shalt  }
0x52: {  	_ =	shalt  }
0x53: {  	_ =	shalt  }
0x54: {  	_ =	shalt  }
0x55: {  	_ =	shalt  }
0x56: {  	_ =	shalt  }
0x57: {  	_ =	shalt  }
0x58: {  	_ =	shalt  }
0x59: {  	_ =	shalt  }
0x5a: {  	_ =	shalt  }
0x5b: {  	_ =	shalt  }
0x5c: {  	_ =	shalt  }
0x5d: {  	_ =	shalt  }
0x5e: {  	_ =	shalt  }
0x5f: {  	_ =	shalt  }
0x60: {  	_ =	shalt  }
0x61: {  	_ =	shalt  }
0x62: {  	_ =	shalt  }
0x63: {  	_ =	shalt  }
0x64: {  	_ =	shalt  }
0x65: {  	_ =	shalt  }
0x66: {  	_ =	shalt  }
0x67: {  	_ =	shalt  }
0x68: {  	_ =	shalt  }
0x69: {  	_ =	shalt  }
0x6a: {  	_ =	shalt  }
0x6b: {  	_ =	shalt  }
0x6c: {  	_ =	shalt  }
0x6d: {  	_ =	shalt  }
0x6e: {  	_ =	shalt  }
0x6f: {  	_ =	shalt  }
0x70: {  	_ =	shalt  }
0x71: {  	_ =	shalt  }
0x72: {  	_ =	shalt  }
0x73: {  	_ =	shalt  }
0x74: {  	_ =	shalt  }
0x75: {  	_ =	shalt  }
0x76: {  	_ =	shalt  }
0x77: {  	_ =	shalt  }
0x78: {  	_ =	shalt  }
0x79: {  	_ =	shalt  }
0x7a: {  	_ =	shalt  }
0x7b: {  	_ =	shalt  }
0x7c: {  	_ =	shalt  }
0x7d: {  	_ =	shalt  }
0x7e: {  	_ =	shalt  }
0x7f: {  	_ =	shalt  }
0x80: {  	_ =	shalt  }
0x81: {  	_ =	shalt  }
0x82: {  	_ =	shalt  }
0x83: {  	_ =	shalt  }
0x84: {  	_ =	shalt  }
0x85: {  	_ =	shalt  }
0x86: {  	_ =	shalt  }
0x87: {  	_ =	shalt  }
.Lfunc_end0:
.L_simem_size_0:
called_computation.1_lowered:
.L_overlay_start_0:
0x88: {  	s2 =	sld [smem:$0x3FD9]  }
0x89: {  	s3 =	sld [smem:$0x3FFE];
	_ =	sdelay $0x1  }
0x8a: {  	s1 =	srdreg.scid  }
0x8b: {  	s0 =	sand.u32 $0x1, s1  }
0x8c: {  	s16 =	sshll.u32 s0, $0xA;
	s2 =	sadd.s32 s3, s2  }
0x8d: {  	s2 =	sadd.s32 s2, s16  }
0x8e: {  	[smem:$0x3FB4] =	sst s2  }
0x8f: {  	_ = 	snop  }
0x90: {  	(tm) =	ssettm $0x1  }
0x91: {  	s17 =	sld [smem:$0x3FFB];
	_ =	sdelay $0x3  }
0x92: {  	_ =	strace s17  }
0x93: {  	s2 =	sld [smem:$0x3FFC];
	_ =	sdelay $0x3  }
0x94: {  	_ =	strace s2  }
0x95: {  	s2 =	sld [smem:$0x3FFD];
	_ =	sdelay $0x3  }
0x96: {  	_ =	strace s2  }
0x97: {  	_ =	strace $0x8FFFFFFF  }
0x98: {  	s18 =	sld [smem:$0x3FDB];
	_ =	sdelay $0x1  }
0x99: {  	s19 =	simm.s32 $_scs_section_size  }
0x9a: {  	s4 =	simm.s32 $_size__tile_overlayer_lowered;
	s5 =	simm.s32 $_tile_overlayer_lowered  }
0x9b: {  	s22 =	simm.s32 $0x1BFF;
	s21 =	sshll.u32 s5, $0x1;
	s2 =	sadd.s32 s19, s18  }
0x9c: {  	s6 =	simm.s32 $0x0;
	s20 =	sshll.u32 s4, $0x1;
	s4 =	sadd.s32 s21, s2  }
0x9d: {  	[timem:s6], [sflag:s22] =	dma.local [hbm:s4], s20  }
0x9e: {  	_ =	swait.ge [sflag:s22], s20  }
0x9f: {  	s3 =	ssub.s32 $0x0, s20;
	[sflag:s22] =	ssyncset.done $0x0  }
0xa0: {  	[sflag:s22] =	ssyncadd.s32 s3;
	_ =	sdelay $0x1  }
0xa1: {  	s23 =	simm.s32 $0x1B8B  }
0xa2: {  	_ =	swait.ge [sflag:s23], $0x1  }
0xa3: {  	[sflag:s23] =	ssyncset.done $0x0  }
0xa4: {  	s25 =	simm.s32 $0x1B8E;
	s24 =	sld [smem:$0x3FFE];
	[sflag:s23] =	ssyncadd.s32 $0xFFFFFFFF  }
0xa5: {  	s26 =	simm.s32 $execute0_lowered;
	[smem:$0x3FD2] =	sst s25  }
0xa6: {  	s4 =	sshll.u32 s26, $0x1;
	_ =	strace $0x80000049;
	[dreg:$0x1] =	wrdreg $0xFFFFFFFF  }
0xa7: {  	s28 =	simm.s32 $_size_execute0_lowered;
	s2 =	sadd.s32 s2, s4;
	[dreg:$0x0] =	wrdreg $0x0  }
0xa8: {  	s4 =	sshll.u32 s28, $0x1;
	[dreg:$0x2] =	wrdreg s2  }
0xa9: {  	[dreg:$0x3] =	wrdreg s4  }
0xaa: {  	[dreg:$0x4] =	wrdreg $0xC0  }
0xab: {  	_ =	task [dreg:s6], $0x5FFFF  }
0xac: {  	[dreg:$0x1] =	wrdreg $0xFFFFFFFF  }
0xad: {  	[dreg:$0x0] =	wrdreg $0x60  }
0xae: {  	[dreg:$0x2] =	wrdreg s24  }
0xaf: {  	[dreg:$0x3] =	wrdreg $0x9  }
0xb0: {  	_ =	task.clear_ibuf [dreg:s6], $0x4FFFF;
	_ =	strace $0x90000049  }
0xb1: {  	s29 =	simm.s32 $0x9;
	_ =	strace $0x8000004B  }
0xb2: {  	_ =	swait.ge [sflag:s29], $0x1  }
0xb3: {  	[sflag:s29] =	ssyncadd.s32 $0xFFFFFFFF  }
0xb4: {  	_ =	strace $0x9000004B  }
0xb5: {  	_ =	sfence  }
0xb6: {  	s30 =	sld [smem:$0x0];
	_ =	sdelay $0x2  }
0xb7: {  	s31 =	sshll.u32 s1, $0xD;
	s1 =	sshrl.u32 s1, $0x2  }
0xb8: {  	s3 =	sand.u32 $0x4000, s31;
	s1 =	sadd.s32 s1, s30  }
0xb9: {  	s0 =	sor.u32 s3, s0;
	s1 =	sshll.u32 s1, $0x11  }
0xba: {  	s0 =	sor.u32 s1, s0  }
0xbb: {  	s0 =	sadd.s32 $0x8F2B, s0  }
0xbc: {  	[sflag:s0] =	ssyncadd.remote.s32 $0x1  }
0xbd: {  	_ =	sfence.sel $0xFFFF  }
0xbe: {  	[dreg:$0x0] =	wrdreg $0xFFFFFFFF;
	(pc) =	sbr.abs _section_cstart, $3  }
0xbf: {  	[dreg:$0x1] =	wrdreg $0xFFFFFFFF  }
0xc0: {  	_ =	task.clear_ibuf [dreg:s6], $0x2FFFF;
	_ =	strace $0x9FFFFFFF  }
0xc1: {  	(tm) =	ssettm $0x7FFFFFFF  }
tec
execute0_lowered:
.L_overlay_start_1:
0x0: {  	(tag) =	ssettag $0x1  }
0x1: {  	s8 =	rddreg [dreg:$0x0]  }
0x2: {  	s0 =	rddreg [dreg:$0x1];
	_ =	strace $0x8000004A;
	s1 =	stileid.u32  }
0x3: {  	s3 =	srdreg.scid;
	s4 =	simm.s32 $0x1;
	s7 =	simm.s32 $0x1  }
0x4: {  	s9 =	simm.s32 $0x1;
	s10 =	simm.s32 $0x3;
	s13 =	simm.s32 $0x0  }
0x5: {  	s12 =	simm.s32 $0x0;
	s5 =	sand.u32 $0x1, s3;
	s6 =	sshll.u32 s1, $0x1  }
0x6: {  	s2 =	sadd.s32 $0x14AA00, s8;
	s3 =	sadd.s32 $0xAA00, s8;
	s5 =	sor.u32 s6, s5  }
.Ltmp0:
0x7: {  	[sflag:s4] =	ssyncpa.u1 $0x0;
	p0 =	slt.u32 s5, $0x9;
	(pc) =	sbr.rel .LBB2_1-.Ltmp0, $4  }
0x8: {  	s6 =	simm.s32 $0x2;
	s7 =	simm.s32 @!p0 $0x0;
	p0 =	sne.s32 s5, $0x8  }
0x9: {  	[sflag:s6] =	ssyncpa.u1 $0x0;
	s5 =	smul.u32 $0x7D0, s5;
	s9 =	simm.s32 @!p0 $0x0  }
0xa: {  	s8 =	sadd.s32 $0xD200, s8;
	[sflag:s10] =	ssyncpa.u1 $0x0;
	s7 =	sadd.s32 s9, s7  }
0xb: {  	vm0 =	vmmov $0xffff;
	s10 =	simm.s32 $0x0;
	s11 =	smov.u32 s5;
	s9 =	sadd.s32 $0x1, s7  }
.LBB2_4:
0xc: {  	v2 =	vnsel vm1, $0x0, v2  }
0xd: {  	vm1 =	vgt.s32 v0, $0x0;
	v2 =	vmin.u32 v2, $0x1387F  }
0xe: {  	v0 =	vnsel vm1, $0x0, v0  }
0xf: {  	v0 =	vmin.u32 v0, $0x1387F  }
0x10: {  	[tilespmem:s18], [sflag:$0x1] =	stream.indirect_vreg.gather [hbm4b:s2+s10], $0x1, v1, vm0, $0x4038;
	[tilespmem:$0x1F40] =	vst v63  }
0x11: {  	(ifvalue) =	ssetifvalue $0x7FFFFFFF  }
0x12: {  	[tilespmem:s15], [sflag:$0x1] =	stream.indirect_vreg.gather [hbm4b:s2+s10], $0x1, v2, vm0, $0x4038;
	[tilespmem:$0x1F40] =	vst v63  }
0x13: {  	s29 =	sadd.s32 $0x10, s15;
	(ifvalue) =	ssetifvalue $0x7FFFFFFF  }
0x14: {  	[tilespmem:s29], [sflag:$0x1] =	stream.indirect_vreg.gather [hbm4b:s2+s10], $0x1, v0, vm0, $0x4038;
	[tilespmem:$0x1F40] =	vst v63  }
0x15: {  	_ =	swait.ge [sflag:s4], $0x7D0  }
0x16: {  	s30 =	sshrl.u32 s13, $0x3;
	[sflag:s4] =	ssyncset.done $0x0  }
0x17: {  	s31 =	sand.u32 $0x7, s13;
	s15 =	sadd.s32 s8, s30;
	[sflag:s4] =	ssyncadd.s32 $0xFFFFF830  }
0x18: {  	[hbm4b:s15+s31] =	stream.linear.scatter [tilespmem:s14], [sflag:$0x3], $0x7D0, $0x38;
	[tilespmem:$0x1F40] =	vst v63  }
.LBB2_5:
0x19: {  	s15 =	sadd.s32 $0xFA00, s11  }
0x1a: {  	p1 =	sgt.s32 s15, $0x1387F  }
0x1b: {  	s15 =	smov.u32 @p1 s5;
	p1 =	sne.s32 s12, s9  }
.Ltmp1:
0x1c: {  	p0 =	slt.u32 s12, $0x2;
	(pc) =	sbr.rel @!p1 .LBB2_6-.Ltmp1, $4  }
0x1d: {  	s14 =	simm.s32 @!p0 $0x3  }
0x1e: {  	_ =	swait.ge @!p0 [sflag:s14], $0x7D0  }
0x1f: {  	s16 =	sadd.s32 $0x1, s12;
	s13 =	smov.u32 s11;
	[sflag:s14] =	ssyncset.done @!p0 $0x0  }
0x20: {  	s12 =	smov.u32 s16;
	s11 =	smov.u32 s15;
	[sflag:s14] =	ssyncadd.s32 @!p0 $0xFFFFF830  }
.LBB2_1:
0x21: {  	p0 =	sge.u32 s12, s7  }
0x22: {  	s14 =	sxor.u32 @!p0 $0x1, s12  }
0x23: {  	s14 =	smul.u32 @!p0 $0x1F40, s14  }
0x24: {  	s31 =	sadd.s32 $0xFFFFFFFF, s12;
	s15 =	sshrl.u32 @!p0 s11, $0x3  }
0x25: {  	s16 =	sand.u32 @!p0 $0x7, s11;
	s15 =	sadd.s32 @!p0 s3, s15;
	s14 =	sshra.s32 @!p0 s14, $0x2  }
0x26: {  	[tilespmem:s14], [sflag:$0x2] =	stream.linear.gather @!p0 [hbm4b:s15+s16], $0x7D0, $0x38;
	[tilespmem:$0x1F40] =	vst v63  }
0x27: {  	p0 =	sge.u32 s31, s7  }
.Ltmp2:
0x28: {  	_ = 	snop;
	(pc) =	sbr.rel @p0 .LBB2_5-.Ltmp2, $1  }
0x29: {  	_ =	sdelay $0x3  }
0x2a: {  	s14 =	sand.u32 $0x1, s12  }
0x2b: {  	_ =	swait.ge [sflag:s6], $0x7D0;
	p0 =	seq.s32 s14, $0x1;
	s14 =	simm.s32 $0x7D0  }
0x2c: {  	[sflag:s6] =	ssyncset.done $0x0;
	s14 =	simm.s32 @!p0 $0x0  }
0x2d: {  	[sflag:s6] =	ssyncadd.s32 $0xFFFFF830;
	(ifvalue) =	ssetifvalue $0x7FFFFFFF;
	v0 =	vld.msk [tilespmem:s14+$0x0 ss:$0x1], $0xffff;
	_ =	sdelay $0x4  }
0x2e: {  	s15 =	sadd.s32 $0x10, s14;
	vm1 =	vgt.s32 v0, $0x0  }
0x2f: {  	v2 =	vld.msk [tilespmem:s15+$0x0 ss:$0x1], $0xffff;
	v1 =	vnsel vm1, $0x0, v0  }
0x30: {  	v1 =	vmin.u32 v1, $0x1387F;
	_ =	sdelay $0x2  }
0x31: {  	s17 =	simm.s32 $0x20;
	s14 =	sadd.s32 $0xFA0, s14;
	s16 =	sadd.s32 $0x10, s15  }
0x32: {  	s15 =	sadd.s32 $0x10, s14;
	s18 =	smov.u32 s14;
	v0 =	vld.msk [tilespmem:s16+$0x0 ss:$0x1], $0xffff;
	vm1 =	vgt.s32 v2, $0x0;
	(ifvalue) =	ssetifvalue $0x7FFFFFFF  }
.LBB2_3:
0x33: {  	[tilespmem:s18], [sflag:$0x1] =	stream.indirect_vreg.gather [hbm4b:s2+s10], $0x1, v1, vm0, $0x4038;
	[tilespmem:$0x1F40] =	vst v63  }
0x34: {  	s17 =	sadd.s32 $0x10, s17  }
0x35: {  	v2 =	vnsel vm1, $0x0, v2;
	p0 =	slt.u32 s17, $0x7C0  }
.Ltmp3:
0x36: {  	s18 =	smov.u32 s15;
	v1 =	vmin.u32 v2, $0x1387F;
	(pc) =	sbr.rel @p0 .LBB2_3-.Ltmp3, $3  }
0x37: {  	_ =	sdelay $0x1  }
0x38: {  	s16 =	sadd.s32 $0x10, s16  }
0x39: {  	vm1 =	vgt.s32 v0, $0x0;
	s15 =	sadd.s32 $0x10, s15;
	v2 =	vmov v0;
	(ifvalue) =	ssetifvalue $0x7FFFFFFF;
	v0 =	vld.msk [tilespmem:s16+$0x0 ss:$0x1], $0xffff  }
.Ltmp4:
0x3a: {  	_ = 	snop;
	(pc) =	sbr.rel .LBB2_4-.Ltmp4, $1  }
0x3b: {  	_ =	sdelay $0x3  }
.LBB2_6:
0x3c: {  	_ =	sfence.sel $0x180000  }
0x3d: {  	s2 =	simm.s32 $0x2;
	[bflag:$0x0] =	sbarrier.arrive $0xFFFF  }
0x3e: {  	s30 =	simm.s32 $0x3;
	[sflag:s2] =	ssyncpa.u1 $0x1  }
0x3f: {  	s31 =	simm.s32 $0x1;
	[sflag:s30] =	ssyncpa.u1 $0x1  }
0x40: {  	[sflag:s31] =	ssyncpa.u1 $0x1  }
0x41: {  	p0 =	sne.s32 s1, $0x0;
	_ =	strace $0x9000004A  }
0x42: {  	s0 =	sadd.s32 @!p0 $0x100000, s0;
	[bflag:$0x2] =	sbarrier.arrive $0xFFFF  }
0x43: {  	[sflag:s0] =	ssyncadd.tile.s32 @!p0 $0x1;
	_ =	shalt  }
.Lfunc_end2:
_tile_overlayer_lowered:
.L_overlay_start_2:
0x44: {  	(tag) =	ssettag $0x2  }
0x45: {  	s0 =	rddreg [dreg:$0x0];
	s2 =	stileid.u32  }
0x46: {  	s1 =	rddreg [dreg:$0x1];
	p0 =	sne.s32 s2, $0x0  }
0x47: {  	s3 =	rddreg [dreg:$0x2];
	[bflag:$0x3] =	sbarrier.arrive $0xFFFF;
	s2 =	simm.s32 @!p0 $0x1C01  }
0x48: {  	[timem:s3], [sflag:s2] =	dma.local @!p0 [hbm:s0], s1  }
0x49: {  	s0 =	simm.s32 @!p0 $0x1  }
0x4a: {  	_ =	swait.ge @!p0 [sflag:s0], s1  }
0x4b: {  	s1 =	ssub.s32 @!p0 $0x0, s1;
	[sflag:s0] =	ssyncset.done @!p0 $0x0  }
0x4c: {  	[sflag:s0] =	ssyncadd.s32 @!p0 s1  }
0x4d: {  	[bflag:$0x3] =	sbarrier.arrive $0xFFFF  }
0x4e: {  	_ =	shalt  }

// kernel: scatter_offload_async_start
scs
__scs_entry_jumppad:
0x0: {  	(pc) =	sbr.rel $0x88, $3  }
0x1: {  	(tag) =	ssettag $0x0;
	lr =	simm.s32 $0x1  }
0x2: {  	[smem:$0x3F8D] =	sst lr;
	_ =	strace $0xD0000000  }
0x3: {  	_ = 	snop  }
0x4: {  	_ = 	snop  }
0x5: {  	_ = 	snop  }
0x6: {  	_ = 	snop  }
0x7: {  	_ = 	snop  }
__scs_overlays_trampoline_lowered:
0x8: {  	[smem:$0x3F9C] =	sst s0  }
0x9: {  	[smem:$0x3F9D] =	sst s1  }
0xa: {  	[smem:$0x3F9E] =	sst s2  }
0xb: {  	[smem:$0x3F9F] =	sst s3  }
0xc: {  	[smem:$0x3FA0] =	sst s4  }
0xd: {  	[smem:$0x3FA1] =	sst s5  }
0xe: {  	[smem:$0x3FA2] =	sst s6  }
0xf: {  	[smem:$0x3FA3] =	sst s7  }
0x10: {  	[smem:$0x3FA4] =	sst s8  }
0x11: {  	[smem:$0x3FA5] =	sst s9;
	s0 =	simm.s32 @!p0 $0x0  }
0x12: {  	s1 =	sld [smem:$0x3F8B];
	s0 =	simm.s32 @p0 $0x1  }
0x13: {  	[smem:$0x3FA6] =	sst s0;
	s0 =	simm.s32 @!p1 $0x0  }
0x14: {  	s2 =	sld [smem:$0x3F8A];
	s0 =	simm.s32 @p1 $0x1  }
0x15: {  	[smem:$0x3FA7] =	sst s0;
	s0 =	simm.s32 @!p2 $0x0  }
0x16: {  	s3 =	sld [smem:$0x3FDB];
	s0 =	simm.s32 @p2 $0x1  }
0x17: {  	s4 =	simm.s32 $0x1BF5;
	[smem:$0x3FA9] =	sst s0  }
0x18: {  	s0 =	sld [smem:$0x3F8C];
	_ =	swait.ge [sflag:s4], $0x0  }
0x19: {  	s7 =	sld [smem:$0x3F8D]  }
0x1a: {  	s8 =	sadd.s32 $0xFFFFE003, lr  }
0x1b: {  	s9 =	sadd.s32 $0xFFFFFEF7, lr;
	s5 =	simm.s32 $0xFFFFFFFF;
	p2 =	slt.u32 s8, $0xFFFFF086  }
0x1c: {  	p1 =	slt.u32 s9, $0xF7A;
	s5 =	simm.s32 @!p2 $0x0  }
0x1d: {  	s5 =	simm.s32 @p1 $0x1;
	p0 =	seq.s32 s7, s2  }
0x1e: {  	s7 =	smul.u32 @!p0 $0xF7A, s2;
	p2 =	seq.s32 @!p0 s5, $0x0  }
0x1f: {  	s9 =	smul.u32 $0xF7A, s1;
	s8 =	simm.s32 @!p0 $0x1BF5;
	p2 =	por !p2, p0  }
0x20: {  	[sflag:s8] =	ssyncset.s32 @!p0 $0xFFFFF086;
	s6 =	sadd.s32 @!p0 s3, s7;
	s7 =	simm.s32 @!p0 $0x108  }
0x21: {  	s3 =	sadd.s32 s3, s9;
	s6 =	sadd.s32 @!p0 $0x88, s6;
	s7 =	simm.s32 @p2 $0x1082  }
0x22: {  	[simem:s7], [sflag:s8] =	dma.local @!p0 [hbm:s6], $0xF7A  }
0x23: {  	s9 =	sor.u32 $0xD0000000, s2;
	s6 =	simm.s32 $0x108;
	_ =	swait.ge @!p0 [sflag:s8], $0x0  }
0x24: {  	s3 =	sadd.s32 $0x88, s3;
	s6 =	simm.s32 @!p1 $0x1082;
	[sflag:s4] =	ssyncset.s32 $0xFFFFF086  }
0x25: {  	[simem:s6], [sflag:s4] =	dma.local [hbm:s3], $0xF7A  }
0x26: {  	[smem:$0x3F8D] =	sst s1;
	(tag) =	ssettag s2;
	_ =	strace s9  }
0x27: {  	s1 =	sld [smem:$0x3F9D]  }
0x28: {  	s2 =	sld [smem:$0x3F9E]  }
0x29: {  	s4 =	sld [smem:$0x3FA0]  }
0x2a: {  	p0 =	seq.s32 s5, $0x0;
	s5 =	sld [smem:$0x3FA1]  }
0x2b: {  	s6 =	sld [smem:$0x3FA2]  }
0x2c: {  	s7 =	sld [smem:$0x3FA3]  }
0x2d: {  	s3 =	simm.s32 $0x108;
	s8 =	sld [smem:$0x3FA4]  }
0x2e: {  	s3 =	simm.s32 @!p0 $0x1082;
	s9 =	sld [smem:$0x3FA5]  }
0x2f: {  	lr =	sadd.s32 s0, s3;
	s0 =	sld [smem:$0x3F9C]  }
0x30: {  	s3 =	sld [smem:$0x3F9F]  }
0x31: {  	[smem:$0x3FA8] =	sst s10  }
0x32: {  	s10 =	sld [smem:$0x3FA6];
	_ =	sdelay $0x3  }
0x33: {  	p0 =	seq.s32 s10, $0x1;
	s10 =	sld [smem:$0x3FA8];
	_ =	sdelay $0x3  }
0x34: {  	[smem:$0x3FA8] =	sst s10  }
0x35: {  	s10 =	sld [smem:$0x3FA7];
	_ =	sdelay $0x3  }
0x36: {  	p1 =	seq.s32 s10, $0x1;
	s10 =	sld [smem:$0x3FA8];
	_ =	sdelay $0x3  }
0x37: {  	[smem:$0x3FA8] =	sst s10  }
0x38: {  	s10 =	sld [smem:$0x3FA9]  }
0x39: {  	_ = 	snop;
	(pc) =	sbr.ind lr, $3  }
0x3a: {  	_ = 	snop  }
0x3b: {  	_ = 	snop  }
0x3c: {  	p2 =	seq.s32 s10, $0x1;
	s10 =	sld [smem:$0x3FA8]  }
0x3d: {  	_ =	shalt  }
0x3e: {  	_ =	shalt  }
0x3f: {  	_ =	shalt  }
0x40: {  	_ =	shalt  }
0x41: {  	_ =	shalt  }
0x42: {  	_ =	shalt  }
0x43: {  	_ =	shalt  }
0x44: {  	_ =	shalt  }
0x45: {  	_ =	shalt  }
0x46: {  	_ =	shalt  }
0x47: {  	_ =	shalt  }
0x48: {  	_ =	shalt  }
0x49: {  	_ =	shalt  }
0x4a: {  	_ =	shalt  }
0x4b: {  	_ =	shalt  }
0x4c: {  	_ =	shalt  }
0x4d: {  	_ =	shalt  }
0x4e: {  	_ =	shalt  }
0x4f: {  	_ =	shalt  }
0x50: {  	_ =	shalt  }
0x51: {  	_ =	shalt  }
0x52: {  	_ =	shalt  }
0x53: {  	_ =	shalt  }
0x54: {  	_ =	shalt  }
0x55: {  	_ =	shalt  }
0x56: {  	_ =	shalt  }
0x57: {  	_ =	shalt  }
0x58: {  	_ =	shalt  }
0x59: {  	_ =	shalt  }
0x5a: {  	_ =	shalt  }
0x5b: {  	_ =	shalt  }
0x5c: {  	_ =	shalt  }
0x5d: {  	_ =	shalt  }
0x5e: {  	_ =	shalt  }
0x5f: {  	_ =	shalt  }
0x60: {  	_ =	shalt  }
0x61: {  	_ =	shalt  }
0x62: {  	_ =	shalt  }
0x63: {  	_ =	shalt  }
0x64: {  	_ =	shalt  }
0x65: {  	_ =	shalt  }
0x66: {  	_ =	shalt  }
0x67: {  	_ =	shalt  }
0x68: {  	_ =	shalt  }
0x69: {  	_ =	shalt  }
0x6a: {  	_ =	shalt  }
0x6b: {  	_ =	shalt  }
0x6c: {  	_ =	shalt  }
0x6d: {  	_ =	shalt  }
0x6e: {  	_ =	shalt  }
0x6f: {  	_ =	shalt  }
0x70: {  	_ =	shalt  }
0x71: {  	_ =	shalt  }
0x72: {  	_ =	shalt  }
0x73: {  	_ =	shalt  }
0x74: {  	_ =	shalt  }
0x75: {  	_ =	shalt  }
0x76: {  	_ =	shalt  }
0x77: {  	_ =	shalt  }
0x78: {  	_ =	shalt  }
0x79: {  	_ =	shalt  }
0x7a: {  	_ =	shalt  }
0x7b: {  	_ =	shalt  }
0x7c: {  	_ =	shalt  }
0x7d: {  	_ =	shalt  }
0x7e: {  	_ =	shalt  }
0x7f: {  	_ =	shalt  }
0x80: {  	_ =	shalt  }
0x81: {  	_ =	shalt  }
0x82: {  	_ =	shalt  }
0x83: {  	_ =	shalt  }
0x84: {  	_ =	shalt  }
0x85: {  	_ =	shalt  }
0x86: {  	_ =	shalt  }
0x87: {  	_ =	shalt  }
.Lfunc_end0:
.L_simem_size_0:
called_computation_lowered:
.L_overlay_start_0:
0x88: {  	s0 =	sld [smem:$0x3FD9]  }
0x89: {  	s1 =	sld [smem:$0x3FFE];
	_ =	sdelay $0x3  }
0x8a: {  	s0 =	sadd.s32 s1, s0  }
0x8b: {  	[smem:$0x3FB4] =	sst s0  }
0x8c: {  	_ = 	snop  }
0x8d: {  	s0 =	sld [smem:$0x3FD0];
	(tm) =	ssettm $0x1  }
0x8e: {  	s16 =	sld [smem:$0x3FFB];
	_ =	sdelay $0x3  }
0x8f: {  	_ =	strace s16  }
0x90: {  	s1 =	sld [smem:$0x3FFC];
	_ =	sdelay $0x3  }
0x91: {  	_ =	strace s1  }
0x92: {  	s1 =	sld [smem:$0x3FFD];
	_ =	sdelay $0x3  }
0x93: {  	_ =	strace s1  }
0x94: {  	_ =	strace $0x8FFFFFFF  }
0x95: {  	s17 =	sld [smem:$0x3FDB];
	_ =	sdelay $0x1  }
0x96: {  	s2 =	simm.s32 $_scs_section_size  }
0x97: {  	s3 =	simm.s32 $_size__tile_overlayer_lowered;
	s4 =	simm.s32 $_tile_overlayer_lowered  }
0x98: {  	s20 =	simm.s32 $0x1BFF;
	s19 =	sshll.u32 s4, $0x1;
	s1 =	sadd.s32 s2, s17  }
0x99: {  	s5 =	simm.s32 $0x0;
	s18 =	sshll.u32 s3, $0x1;
	s3 =	sadd.s32 s19, s1  }
0x9a: {  	[timem:s5], [sflag:s20] =	dma.local [hbm:s3], s18  }
0x9b: {  	_ =	swait.ge [sflag:s20], s18  }
0x9c: {  	s2 =	ssub.s32 $0x0, s18;
	[sflag:s20] =	ssyncset.done $0x0  }
0x9d: {  	[sflag:s20] =	ssyncadd.s32 s2;
	_ =	sdelay $0x1  }
0x9e: {  	s21 =	simm.s32 $0x1B8B  }
0x9f: {  	_ =	swait.ge [sflag:s21], $0x1  }
0xa0: {  	[sflag:s21] =	ssyncset.done $0x0  }
0xa1: {  	s23 =	simm.s32 $0x1B8E;
	s22 =	sld [smem:$0x3FFE];
	[sflag:s21] =	ssyncadd.s32 $0xFFFFFFFF  }
0xa2: {  	s24 =	simm.s32 $execute0_lowered;
	[smem:$0x3FD2] =	sst s23  }
0xa3: {  	s3 =	sshll.u32 s24, $0x1;
	_ =	strace $0x80000046;
	[dreg:$0x1] =	wrdreg $0xFFFFFFFF  }
0xa4: {  	s25 =	simm.s32 $_size_execute0_lowered;
	s1 =	sadd.s32 s1, s3;
	[dreg:$0x0] =	wrdreg $0x0  }
0xa5: {  	s3 =	sshll.u32 s25, $0x1;
	[dreg:$0x2] =	wrdreg s1  }
0xa6: {  	[dreg:$0x3] =	wrdreg s3  }
0xa7: {  	[dreg:$0x4] =	wrdreg $0xC0  }
0xa8: {  	_ =	task [dreg:s5], $0x5FFFF  }
0xa9: {  	[dreg:$0x1] =	wrdreg $0xFFFFFFFF  }
0xaa: {  	[dreg:$0x0] =	wrdreg $0x60  }
0xab: {  	[dreg:$0x2] =	wrdreg s22  }
0xac: {  	[dreg:$0x3] =	wrdreg s0  }
0xad: {  	[dreg:$0x4] =	wrdreg $0x9  }
0xae: {  	_ =	task.clear_ibuf [dreg:s5], $0x5FFFF;
	_ =	strace $0x90000046  }
0xaf: {  	s26 =	simm.s32 $0x9;
	_ =	strace $0x80000048  }
0xb0: {  	_ =	swait.ge [sflag:s26], $0x1  }
0xb1: {  	[sflag:s26] =	ssyncadd.s32 $0xFFFFFFFF  }
0xb2: {  	_ =	strace $0x90000048  }
0xb3: {  	_ =	sfence  }
0xb4: {  	s28 =	sld [smem:$0x0];
	_ =	sdelay $0x1  }
0xb5: {  	s29 =	srdreg.scid  }
0xb6: {  	s30 =	sshll.u32 s29, $0xD;
	s31 =	sshrl.u32 s29, $0x2  }
0xb7: {  	s2 =	sand.u32 $0x4000, s30;
	s1 =	sand.u32 $0x1, s29;
	s0 =	sadd.s32 s31, s28  }
0xb8: {  	s1 =	sor.u32 s2, s1;
	s0 =	sshll.u32 s0, $0x11  }
0xb9: {  	s0 =	sor.u32 s0, s1  }
0xba: {  	s0 =	sadd.s32 $0x8F2B, s0  }
0xbb: {  	[sflag:s0] =	ssyncadd.remote.s32 $0x1  }
0xbc: {  	_ =	sfence.sel $0xFFFF  }
0xbd: {  	[dreg:$0x0] =	wrdreg $0xFFFFFFFF;
	(pc) =	sbr.abs _section_cstart, $3  }
0xbe: {  	[dreg:$0x1] =	wrdreg $0xFFFFFFFF  }
0xbf: {  	_ =	task.clear_ibuf [dreg:s5], $0x2FFFF;
	_ =	strace $0x9FFFFFFF  }
0xc0: {  	(tm) =	ssettm $0x7FFFFFFF  }
0xc1: {  	_ =	shalt  }
tec
execute0_lowered:
.L_overlay_start_1:
0x0: {  	(tag) =	ssettag $0x1  }
0x1: {  	s7 =	rddreg [dreg:$0x0]  }
0x2: {  	s2 =	rddreg [dreg:$0x1]  }
0x3: {  	s0 =	rddreg [dreg:$0x2]  }
0x4: {  	_ =	strace $0x80000047;
	s4 =	stileid.u32;
	s5 =	simm.s32 $0x3E  }
0x5: {  	s1 =	sadd.s32 $0x148200, s7;
	p0 =	sne.s32 s4, $0x0;
	[sflag:s5] =	ssyncpa.u1 $0x0  }
0x6: {  	s30 =	smin.u32 s4, $0x4;
	s3 =	simm.s32 @!p0 $0x1C3E;
	s6 =	simm.s32 @!p0 $0x0  }
0x7: {  	[spmem:s6], [sflag:s3] =	dma.local @!p0 [hbm:s1], $0xA00  }
0x8: {  	s3 =	sadd.s32 s4, s30  }
0x9: {  	p1 =	slt.u32 s4, $0x4;
	s4 =	simm.s32 $0x1F40;
	s3 =	smul.u32 $0xFA0, s3  }
0xa: {  	s4 =	simm.s32 @!p1 $0xFA0  }
0xb: {  	s4 =	sadd.s32 s4, s3  }
0xc: {  	s4 =	smin.u32 s4, $0x13880  }
0xd: {  	s8 =	ssub.s32 s4, s3  }
0xe: {  	p1 =	sgt.s32 s8, $0x0  }
0xf: {  	s8 =	simm.s32 @!p1 $0x0  }
0x10: {  	s6 =	simm.s32 @!p0 $0x3E;
	s31 =	smulhi.u32 $0x10624DD3, s8  }
0x11: {  	_ =	swait.ge @!p0 [sflag:s6], $0xA00  }
0x12: {  	[sflag:s6] =	ssyncset.done @!p0 $0x0;
	s9 =	sshrl.u32 s31, $0x8  }
0x13: {  	s11 =	simm.s32 $0x0;
	[sflag:s6] =	ssyncadd.s32 @!p0 $0xFFFFF600;
	s10 =	smul.u32 $0xFA0, s9  }
.Ltmp0:
0x14: {  	s7 =	sadd.s32 $0x7C00, s7;
	[bflag:$0x0] =	sbarrier.arrive $0xFFFF;
	(pc) =	sbr.rel .LBB2_1-.Ltmp0, $4  }
0x15: {  	s6 =	simm.s32 $0x2;
	[sflag:s5] =	ssyncpa.u1 $0x1;
	s5 =	simm.s32 $0x1  }
0x16: {  	[sflag:s5] =	ssyncpa.u1 $0x0;
	p1 =	sne.s32 s8, s10;
	s8 =	simm.s32 $0x1  }
0x17: {  	(ifvalue) =	ssetifvalue $0x5000;
	[sflag:s6] =	ssyncpa.u1 $0x0;
	s8 =	simm.s32 @!p1 $0x0  }
0x18: {  	vm0 =	vmmov $0xffff;
	s10 =	smov.u32 s3;
	s8 =	sadd.s32 s8, s9;
	s9 =	simm.s32 $0x0  }
.LBB2_5:
0x19: {  	p2 =	sne.s32 s11, s8  }
.Ltmp1:
0x1a: {  	_ = 	snop;
	(pc) =	sbr.rel @!p2 .LBB2_6-.Ltmp1, $4  }
0x1b: {  	_ = 	snop  }
0x1c: {  	s12 =	sadd.s32 $0xFA0, s10  }
0x1d: {  	s10 =	smov.u32 s3;
	s13 =	sadd.s32 $0x1, s11;
	p1 =	slt.s32 s12, s4  }
0x1e: {  	s11 =	smov.u32 s13;
	s10 =	smov.u32 @p1 s12  }
.LBB2_1:
0x1f: {  	p1 =	sge.u32 s11, s8  }
0x20: {  	s12 =	sxor.u32 @!p1 $0xFFFFFFFF, s11  }
0x21: {  	s12 =	sand.u32 @!p1 $0x1, s12  }
0x22: {  	s12 =	smul.u32 @!p1 $0xFA0, s12  }
0x23: {  	s13 =	sshrl.u32 @!p1 s10, $0x3  }
0x24: {  	s16 =	sand.u32 @!p1 $0x7, s10;
	s14 =	sadd.s32 @!p1 s7, s13;
	s15 =	sadd.s32 @!p1 $0x500, s12  }
0x25: {  	[tilespmem:s15], [sflag:$0x2] =	stream.linear.gather @!p1 [hbm4b:s14+s16], $0xFA0, $0x38;
	[tilespmem:$0x4380] =	vst v63  }
0x26: {  	s13 =	sadd.s32 @!p1 s2, s13;
	s12 =	sadd.s32 @!p1 $0x2440, s12  }
0x27: {  	[tilespmem:s12], [sflag:$0x2] =	stream.linear.gather @!p1 [hbm4b:s13+s16], $0xFA0, $0x38;
	[tilespmem:$0x4380] =	vst v63  }
0x28: {  	p1 =	seq.s32 s11, $0x0  }
.Ltmp2:
0x29: {  	_ = 	snop;
	(pc) =	sbr.rel @p1 .LBB2_5-.Ltmp2, $1  }
0x2a: {  	_ =	sdelay $0x3  }
0x2b: {  	s12 =	sand.u32 $0x1, s11  }
0x2c: {  	_ =	swait.ge [sflag:s6], $0x1F40;
	p1 =	seq.s32 s12, $0x1;
	s12 =	simm.s32 $0xFA0  }
0x2d: {  	[sflag:s6] =	ssyncset.done $0x0;
	s12 =	simm.s32 @!p1 $0x0  }
0x2e: {  	[sflag:s6] =	ssyncadd.s32 $0xFFFFE0C0;
	s14 =	sadd.s32 $0x500, s12  }
0x2f: {  	v0 =	vld.msk [tilespmem:s14+$0x0 ss:$0x1], $0xffff;
	_ =	sdelay $0x4  }
0x30: {  	v0 =	vmin.u32 v0, $0x5000;
	_ =	sdelay $0x3  }
0x31: {  	s13 =	simm.s32 $0x0;
	s12 =	sadd.s32 $0x2440, s12;
	s14 =	sadd.s32 $0x10, s14  }
0x32: {  	[spmem:s9] =	stream.indirect_vreg.scatter.add.s32 [tilespmem:s12], [sflag:$0x1], $0x1, v0, vm0, $0x4038;
	[tilespmem:$0x4380] =	vst v63  }
.LBB2_3:
0x33: {  	v0 =	vld.msk [tilespmem:s14+$0x0 ss:$0x1], $0xffff;
	s13 =	sadd.s32 $0x10, s13  }
0x34: {  	p1 =	slt.u32 s13, $0xF90;
	_ =	sdelay $0x4  }
0x35: {  	v0 =	vmin.u32 v0, $0x5000  }
.Ltmp3:
0x36: {  	(pc) =	sbr.rel @p1 .LBB2_3-.Ltmp3, $3  }
0x37: {  	_ =	sdelay $0x1  }
0x38: {  	s14 =	sadd.s32 $0x10, s14;
	s12 =	sadd.s32 $0x10, s12  }
0x39: {  	[spmem:s9] =	stream.indirect_vreg.scatter.add.s32 [tilespmem:s12], [sflag:$0x1], $0x1, v0, vm0, $0x4038;
	[tilespmem:$0x4380] =	vst v63  }
.Ltmp4:
0x3a: {  	(pc) =	sbr.rel .LBB2_5-.Ltmp4, $4  }
0x3b: {  	_ = 	snop  }
0x3c: {  	_ =	swait.ge [sflag:s5], $0xFA0  }
0x3d: {  	[sflag:s5] =	ssyncset.done $0x0  }
0x3e: {  	[sflag:s5] =	ssyncadd.s32 $0xFFFFF060  }
.LBB2_6:
0x3f: {  	_ =	sfence.sel $0x180000  }
0x40: {  	s2 =	simm.s32 $0x2;
	[bflag:$0x0] =	sbarrier.arrive $0xFFFF  }
0x41: {  	s30 =	simm.s32 $0x1;
	[sflag:s2] =	ssyncpa.u1 $0x1  }
0x42: {  	[sflag:s30] =	ssyncpa.u1 $0x1  }
0x43: {  	_ =	sfence.stream.spmem  }
0x44: {  	s31 =	simm.s32 $0x3D;
	[bflag:$0x0] =	sbarrier.arrive $0xFFFF  }
0x45: {  	s2 =	simm.s32 @p0 $0x3D;
	[sflag:s31] =	ssyncpa.u1 $0x0  }
0x46: {  	[sflag:s2] =	ssyncpa.u1 @p0 $0x1  }
0x47: {  	[bflag:$0x0] =	sbarrier.arrive @p0 $0xFFFF  }
0x48: {  	_ =	strace @p0 $0x90000047  }
0x49: {  	s3 =	simm.s32 @!p0 $0x1C3D;
	s2 =	simm.s32 @!p0 $0x0;
	[bflag:$0x2] =	sbarrier.arrive @p0 $0xFFFF  }
0x4a: {  	[hbm:s1], [sflag:s3] =	dma.local @!p0 [spmem:s2], $0xA00  }
0x4b: {  	s1 =	simm.s32 @!p0 $0x3D  }
0x4c: {  	_ =	swait.ge @!p0 [sflag:s1], $0xA00  }
0x4d: {  	[sflag:s1] =	ssyncset.done @!p0 $0x0  }
0x4e: {  	[sflag:s1] =	ssyncadd.s32 @!p0 $0xFFFFF600  }
0x4f: {  	[sflag:s1] =	ssyncpa.u1 @!p0 $0x1  }
0x50: {  	[bflag:$0x0] =	sbarrier.arrive @!p0 $0xFFFF  }
0x51: {  	_ =	strace @!p0 $0x90000047  }
0x52: {  	s0 =	sadd.s32 @!p0 $0x100000, s0;
	[bflag:$0x2] =	sbarrier.arrive @!p0 $0xFFFF  }
0x53: {  	[sflag:s0] =	ssyncadd.tile.s32 @!p0 $0x1;
	_ =	shalt  }
.Lfunc_end2:
_tile_overlayer_lowered:
.L_overlay_start_2:
0x54: {  	(tag) =	ssettag $0x2  }
0x55: {  	s0 =	rddreg [dreg:$0x0];
	s2 =	stileid.u32  }
0x56: {  	s1 =	rddreg [dreg:$0x1];
	p0 =	sne.s32 s2, $0x0  }
0x57: {  	s3 =	rddreg [dreg:$0x2];
	[bflag:$0x3] =	sbarrier.arrive $0xFFFF;
	s2 =	simm.s32 @!p0 $0x1C01  }
0x58: {  	[timem:s3], [sflag:s2] =	dma.local @!p0 [hbm:s0], s1  }
0x59: {  	s0 =	simm.s32 @!p0 $0x1  }
0x5a: {  	_ =	swait.ge @!p0 [sflag:s0], s1  }
0x5b: {  	s1 =	ssub.s32 @!p0 $0x0, s1;
	[sflag:s0] =	ssyncset.done @!p0 $0x0  }
0x5c: {  	[sflag:s0] =	ssyncadd.s32 @!p0 s1  }
0x5d: {  	[bflag:$0x3] =	sbarrier.arrive $0xFFFF  }
0x5e: {  	_ =	shalt  }

</sc_bundles>
